<compile_context>
chip_gen: v7x
topology: tpu7x:2x2x1
jax: 0.10.2.dev20260603
libtpu: 0.0.44.dev20260713+nightly
codegen_flags: <defaults>
</compile_context>

<pallas_src>
import functools
import jax
import jax.numpy as jnp
from jax import lax
from jax.experimental import pallas as pl
from jax.experimental.pallas import tpu as pltpu
from jax.experimental.pallas import tpu_sc as plsc

NUM_RADIAL = 8
RBF_START = 0.0
RBF_STOP = 5.0
WIDTH = (RBF_STOP - RBF_START) / (NUM_RADIAL - 1)

NC = 2
NS = 16
NW = NC * NS
CHUNK = 40
NBUF = 5
NBUF_S = 2


def _make_gather(N, E, D):
    epw = E // NW
    nch = epw // CHUNK
    mesh = plsc.VectorSubcoreMesh(core_axis_name="c", subcore_axis_name="s")

    @functools.partial(
        pl.kernel,
        mesh=mesh,
        out_type=jax.ShapeDtypeStruct((E, D), jnp.float32),
        scratch_types=[
            pltpu.VMEM((nch, CHUNK), jnp.int32),
            pltpu.VMEM((NBUF * CHUNK, D), jnp.float32),
            pltpu.SemaphoreType.DMA,
            pltpu.SemaphoreType.DMA,
        ],
    )
    def gather_k(x_hbm, src_hbm, xj_hbm, idx_all, rows, gsem, wsem):
        wid = lax.axis_index("s") * NC + lax.axis_index("c")
        pltpu.sync_copy(src_hbm.at[wid], idx_all)
        wbase = wid * epw

        def _buf(j):
            return rows.at[pl.ds((j % NBUF) * CHUNK, CHUNK)]

        def _wslice(j):
            return xj_hbm.at[pl.ds(wbase + j * CHUNK, CHUNK)]

        def _fire(j):
            pltpu.async_copy(x_hbm.at[idx_all.at[j]], _buf(j), gsem)

        for g in range(NBUF - 1):
            _fire(g)

        def body(j, carry):
            pltpu.make_async_copy(x_hbm.at[idx_all.at[j]], _buf(j),
                                  gsem).wait()
            pltpu.async_copy(_buf(j), _wslice(j), wsem)
            g = j + NBUF - 1

            @pl.when(jnp.logical_and(g >= NBUF, g < nch))
            def _():
                pltpu.make_async_copy(_buf(0), _wslice(0), wsem).wait()
                _fire(g)

            @pl.when(g == NBUF - 1)
            def _():
                _fire(NBUF - 1)

            return carry

        lax.fori_loop(0, nch, body, 0)
        for _ in range(NBUF):
            pltpu.make_async_copy(_buf(0), _wslice(0), wsem).wait()

    return gather_k


def _make_scatter(N, E, D, npad):
    epw = E // NW
    nch = epw // CHUNK
    rpt = npad // NS
    mesh = plsc.VectorSubcoreMesh(core_axis_name="c", subcore_axis_name="s")

    @functools.partial(
        pl.kernel,
        mesh=mesh,
        out_type=jax.ShapeDtypeStruct((NC, npad, D), jnp.float32),
        scratch_types=[
            pltpu.VMEM((nch, CHUNK), jnp.int32),
            pltpu.VMEM((NBUF_S * CHUNK, D), jnp.float32),
            pltpu.VMEM_SHARED((npad, D), jnp.float32),
            pltpu.SemaphoreType.DMA,
            pltpu.SemaphoreType.DMA,
        ],
    )
    def scatter_k(msg_hbm, dst_hbm, init_hbm, part_hbm, idx_all, msg_v, acc,
                  lsem, asem):
        cid = lax.axis_index("c")
        sid = lax.axis_index("s")
        wid = sid * NC + cid
        rows = pl.ds(sid * rpt, rpt)
        pltpu.sync_copy(init_hbm.at[cid].at[rows], acc.at[rows])
        pltpu.sync_copy(dst_hbm.at[wid], idx_all)
        plsc.subcore_barrier()
        wbase = wid * epw

        def _buf(j):
            return msg_v.at[pl.ds((j % NBUF_S) * CHUNK, CHUNK)]

        def _lslice(j):
            return msg_hbm.at[pl.ds(wbase + j * CHUNK, CHUNK)]

        for g in range(NBUF_S - 1):
            pltpu.async_copy(_lslice(g), _buf(g), lsem)

        def body(j, carry):
            pltpu.make_async_copy(_lslice(0), _buf(j), lsem).wait()
            pltpu.async_copy(_buf(j), acc.at[idx_all.at[j]], asem, add=True)
            g = j + NBUF_S - 1

            @pl.when(jnp.logical_and(g >= NBUF_S, g < nch))
            def _():
                pltpu.make_async_copy(_buf(0), acc.at[idx_all.at[0]],
                                      asem).wait()
                pltpu.async_copy(_lslice(g), _buf(g), lsem)

            @pl.when(g == NBUF_S - 1)
            def _():
                pltpu.async_copy(_lslice(NBUF_S - 1), _buf(NBUF_S - 1), lsem)

            return carry

        lax.fori_loop(0, nch, body, 0)
        for _ in range(NBUF_S):
            pltpu.make_async_copy(_buf(0), acc.at[idx_all.at[0]], asem).wait()
        plsc.subcore_barrier()
        pltpu.sync_copy(acc.at[rows], part_hbm.at[cid].at[rows])

    return scatter_k


def _tp_body(ev_ref, xj_ref, wf_ref, out_ref):
    ev = ev_ref[...]
    d2 = jnp.sum(ev * ev, axis=1, keepdims=True)
    d = jnp.sqrt(d2 + 1e-12)
    r = lax.broadcasted_iota(jnp.int32, (1, NUM_RADIAL), 1).astype(jnp.float32)
    centers = RBF_START + r * WIDTH
    scaling = 1.0 / jnp.sqrt(2.0 * jnp.pi)
    rbf = scaling * jnp.exp(-0.5 * ((d - centers) / WIDTH) ** 2)
    xj = xj_ref[...].astype(jnp.bfloat16)
    acc = jnp.zeros(out_ref.shape, jnp.float32)
    for i in range(NUM_RADIAL):
        acc = acc + rbf[:, i:i + 1] * jnp.dot(
            xj, wf_ref[pl.ds(i * 128, 128)],
            preferred_element_type=jnp.float32)
    out_ref[...] = acc


def _tensor_product(xj, ev, wf, block=640):
    E, D = xj.shape
    grid = E // block
    return pl.pallas_call(
        _tp_body,
        grid=(grid,),
        in_specs=[
            pl.BlockSpec((block, 3), lambda i: (i, 0)),
            pl.BlockSpec((block, D), lambda i: (i, 0)),
            pl.BlockSpec(wf.shape, lambda i: (0, 0)),
        ],
        out_specs=pl.BlockSpec((block, D), lambda i: (i, 0)),
        out_shape=jax.ShapeDtypeStruct((E, D), jnp.float32),
    )(ev, xj, wf)


def _sum_body(p_ref, o_ref):
    o_ref[...] = p_ref[0] + p_ref[1]


def _sum_parts(parts, N, block=2000):
    _, _, D = parts.shape
    return pl.pallas_call(
        _sum_body,
        grid=(N // block,),
        in_specs=[pl.BlockSpec((2, block, D), lambda i: (0, i, 0))],
        out_specs=pl.BlockSpec((block, D), lambda i: (i, 0)),
        out_shape=jax.ShapeDtypeStruct((N, D), jnp.float32),
    )(parts)


def kernel(x, edge_index, edge_vector, W):
    N, D = x.shape
    E = edge_index.shape[1]
    Eh = E // 2
    nch = Eh // NW // CHUNK
    src = edge_index[0]
    dst = edge_index[1]
    wf = jnp.transpose(W, (1, 0, 2)).reshape(
        NUM_RADIAL * D, D).astype(jnp.bfloat16)
    npad = -(-N // (NS * 8)) * NS * 8
    zeros = jnp.zeros((NC, npad, D), jnp.float32)

    gather = _make_gather(N, Eh, D)
    scatter = _make_scatter(N, Eh, D, npad)

    parts = zeros
    msgs = [None, None]
    xjs = [None, None]
    for h in range(2):
        sl = slice(h * Eh, (h + 1) * Eh)
        xjs[h] = gather(x, src[sl].reshape(NW, nch, CHUNK))
    for h in range(2):
        sl = slice(h * Eh, (h + 1) * Eh)
        msgs[h] = _tensor_product(xjs[h], edge_vector[sl], wf)
    for h in range(2):
        sl = slice(h * Eh, (h + 1) * Eh)
        parts = scatter(msgs[h], dst[sl].reshape(NW, nch, CHUNK), parts)
    return _sum_parts(parts, N)

# --- scband reference (transcript-rebuilt; emitter-appended) ---
"""Pipeline reference for scband-nequ-ipconv-18038862643914 (READ-ONLY COPY).

The authoritative reference and input builder live on the scoring server;
editing this copy changes nothing except your own understanding.
"""

import jax, jax.numpy as jnp
import numpy as np

N = 10000
E = 320000
IN_CH = 128
OUT_CH = 128
NUM_RADIAL = 8
RBF_START = 0.0
RBF_STOP = 5.0


def setup_inputs(seed: int = 0) -> dict:
    key = jax.random.key(seed)
    k1, k2, k3, k4 = jax.random.split(key, 4)
    x = jax.random.normal(k1, (N, IN_CH), dtype=jnp.float32)
    edge_index = jax.random.randint(k2, (2, E), 0, N, dtype=jnp.int32)
    edge_vector = jax.random.normal(k3, (E, 3), dtype=jnp.float32)
    # TensorProduct learnable weight (in_channels, num_radial, out_channels), xavier uniform
    limit = float(np.sqrt(6.0 / (IN_CH * NUM_RADIAL + NUM_RADIAL * OUT_CH)))
    W = jax.random.uniform(k4, (IN_CH, NUM_RADIAL, OUT_CH), minval=-limit, maxval=limit, dtype=jnp.float32)
    return {"x": x, "edge_index": edge_index, "edge_vector": edge_vector, "W": W}


def reference(x, edge_index, edge_vector, W):
    src = edge_index[0]
    dst = edge_index[1]
    # gather neighbor features
    x_j = jnp.take(x, src, axis=0)  # [E, IN_CH]
    # edge distances from edge vectors
    d = jnp.sqrt(jnp.sum(edge_vector * edge_vector, axis=-1, keepdims=True) + 1e-12)  # [E, 1]
    # GaussianSmearing
    centers = jnp.linspace(RBF_START, RBF_STOP, NUM_RADIAL)
    width = (RBF_STOP - RBF_START) / (NUM_RADIAL - 1)
    scaling = 1.0 / jnp.sqrt(2.0 * jnp.pi)
    rbf = scaling * jnp.exp(-0.5 * ((d - centers) / width) ** 2)  # [E, NUM_RADIAL]
    # TensorProduct: out[e,r,c] = sum_i x_j[e,i] * W[i,r,c] * rbf[e,r]; summed over radial channel
    msg = jnp.einsum('ei,irc,er->ec', x_j, W, rbf)  # [E, OUT_CH]
    # scatter-add messages to destination nodes
    out = jnp.zeros((x.shape[0], W.shape[2]), dtype=msg.dtype).at[dst].add(msg)
    return out

if __name__ == "__main__":
    import jax
    _d = setup_inputs()
    print(jax.jit(kernel)(*tuple(_d.values())))

</pallas_src>

<mosaic_0001>
#map = affine_map<(d0, d1) -> (0, 0)>
#map1 = affine_map<(d0, d1) -> (0, 0, 0)>
module attributes {stable_mosaic.version = 14 : i64} {
  func.func @gather_k(%arg0: i32, %arg1: i32, %arg2: memref<10000x128xf32, #tpu.memory_space<hbm>>, %arg3: memref<32x125x40xi32, #tpu.memory_space<hbm>>, %arg4: memref<160000x128xf32, #tpu.memory_space<hbm>>, %arg5: memref<125x40xi32, #tpu.memory_space<vmem>>, %arg6: memref<200x128xf32, #tpu.memory_space<vmem>>, %arg7: memref<!tpu.dma_semaphore, #tpu.memory_space<semaphore_mem>>, %arg8: memref<!tpu.dma_semaphore, #tpu.memory_space<semaphore_mem>>) attributes {dimension_semantics = [#tpu.dimension_semantics<core_parallel>, #tpu.dimension_semantics<subcore_parallel>], iteration_bounds = array<i64: 2, 16>, scalar_prefetch = 0 : i64, scratch_operands = 4 : i64, tpu.core_type = #tpu.core_type<sc_vector_subcore>, window_params = [{transform_indices = #map}, {transform_indices = #map1}, {transform_indices = #map}]} {
    %mul3A = arith.constant 2 : i32
    %mul3A_0 = arith.muli %arg1, %mul3A : i32
    %add3A = arith.addi %mul3A_0, %arg0 : i32
    "tpu.region"() ({
      %run_scoped3A = tpu.sem_alloc : memref<!tpu.dma_semaphore, #tpu.memory_space<semaphore_mem>>
      %dma_start3A_106 = arith.constant 0 : i32
      %dma_start3A_107 = arith.constant 0 : i32
      %dma_start3A_108 = tpu.memref_slice %arg3[%add3A, %dma_start3A_106, %dma_start3A_107] : memref<32x125x40xi32, #tpu.memory_space<hbm>> -> memref<1x125x40xi32, #tpu.memory_space<hbm>>
      %dma_start3A_109 = tpu.memref_squeeze %dma_start3A_108 : memref<1x125x40xi32, #tpu.memory_space<hbm>> -> memref<125x40xi32, #tpu.memory_space<hbm>>
      %dma_start3A_110 = arith.constant 0 : i32
      %dma_start3A_111 = arith.constant 0 : i32
      %dma_start3A_112 = tpu.memref_slice %arg3[%add3A, %dma_start3A_110, %dma_start3A_111] : memref<32x125x40xi32, #tpu.memory_space<hbm>> -> memref<1x125x40xi32, #tpu.memory_space<hbm>>
      %dma_start3A_113 = tpu.memref_squeeze %dma_start3A_112 : memref<1x125x40xi32, #tpu.memory_space<hbm>> -> memref<125x40xi32, #tpu.memory_space<hbm>>
      tpu.enqueue_dma source(%dma_start3A_113 : memref<125x40xi32, #tpu.memory_space<hbm>>) target(%arg5 : memref<125x40xi32, #tpu.memory_space<vmem>>) target_semaphore(%run_scoped3A : memref<!tpu.dma_semaphore, #tpu.memory_space<semaphore_mem>>)
      %dma_wait3A_114 = arith.constant 0 : i32
      %dma_wait3A_115 = arith.constant 0 : i32
      %dma_wait3A_116 = tpu.memref_slice %arg3[%add3A, %dma_wait3A_114, %dma_wait3A_115] : memref<32x125x40xi32, #tpu.memory_space<hbm>> -> memref<1x125x40xi32, #tpu.memory_space<hbm>>
      %dma_wait3A_117 = tpu.memref_squeeze %dma_wait3A_116 : memref<1x125x40xi32, #tpu.memory_space<hbm>> -> memref<125x40xi32, #tpu.memory_space<hbm>>
      %dma_wait3A_118 = arith.constant 0 : i32
      %dma_wait3A_119 = arith.constant 0 : i32
      %dma_wait3A_120 = tpu.memref_slice %arg3[%add3A, %dma_wait3A_118, %dma_wait3A_119] : memref<32x125x40xi32, #tpu.memory_space<hbm>> -> memref<1x125x40xi32, #tpu.memory_space<hbm>>
      %dma_wait3A_121 = tpu.memref_squeeze %dma_wait3A_120 : memref<1x125x40xi32, #tpu.memory_space<hbm>> -> memref<125x40xi32, #tpu.memory_space<hbm>>
      tpu.wait_dma2 semaphore(%run_scoped3A : memref<!tpu.dma_semaphore, #tpu.memory_space<semaphore_mem>>) src(%dma_wait3A_121 : memref<125x40xi32, #tpu.memory_space<hbm>>) dst(%arg5 : memref<125x40xi32, #tpu.memory_space<vmem>>)
      tpu.yield
    }) : () -> ()
    %mul3A_1 = arith.constant 5000 : i32
    %mul3A_2 = arith.muli %add3A, %mul3A_1 : i32
    %dma_start3A = arith.constant 0 : i32
    %dma_start3A_3 = arith.constant 0 : i32
    %dma_start3A_4 = arith.constant 0 : i32
    %dma_start3A_5 = tpu.memref_slice %arg6[%dma_start3A_3, %dma_start3A_4] : memref<200x128xf32, #tpu.memory_space<vmem>> -> memref<40x128xf32, #tpu.memory_space<vmem>>
    %dma_start3A_6 = arith.constant 0 : i32
    %dma_start3A_7 = tpu.memref_slice %arg5[%dma_start3A, %dma_start3A_6] : memref<125x40xi32, #tpu.memory_space<vmem>> -> memref<1x40xi32, #tpu.memory_space<vmem>>
    %dma_start3A_8 = tpu.memref_squeeze %dma_start3A_7 : memref<1x40xi32, #tpu.memory_space<vmem>> -> memref<40xi32, #tpu.memory_space<vmem>>
    %dma_start3A_9 = arith.constant 0 : i32
    %dma_start3A_10 = arith.constant 0 : i32
    %dma_start3A_11 = tpu.memref_slice %arg2[%dma_start3A_9, %dma_start3A_10] : memref<10000x128xf32, #tpu.memory_space<hbm>> -> memref<10000x128xf32, #tpu.memory_space<hbm>>
    tpu.enqueue_indirect_dma source(%dma_start3A_11 : memref<10000x128xf32, #tpu.memory_space<hbm>>) target(%dma_start3A_5 : memref<40x128xf32, #tpu.memory_space<vmem>>) offsets(%dma_start3A_8 : memref<40xi32, #tpu.memory_space<vmem>>) semaphore(%arg7 : memref<!tpu.dma_semaphore, #tpu.memory_space<semaphore_mem>>)
    %dma_start3A_12 = arith.constant 1 : i32
    %dma_start3A_13 = arith.constant 40 : i32
    %dma_start3A_14 = arith.constant 0 : i32
    %dma_start3A_15 = tpu.memref_slice %arg6[%dma_start3A_13, %dma_start3A_14] : memref<200x128xf32, #tpu.memory_space<vmem>> -> memref<40x128xf32, #tpu.memory_space<vmem>>
    %dma_start3A_16 = arith.constant 0 : i32
    %dma_start3A_17 = tpu.memref_slice %arg5[%dma_start3A_12, %dma_start3A_16] : memref<125x40xi32, #tpu.memory_space<vmem>> -> memref<1x40xi32, #tpu.memory_space<vmem>>
    %dma_start3A_18 = tpu.memref_squeeze %dma_start3A_17 : memref<1x40xi32, #tpu.memory_space<vmem>> -> memref<40xi32, #tpu.memory_space<vmem>>
    %dma_start3A_19 = arith.constant 0 : i32
    %dma_start3A_20 = arith.constant 0 : i32
    %dma_start3A_21 = tpu.memref_slice %arg2[%dma_start3A_19, %dma_start3A_20] : memref<10000x128xf32, #tpu.memory_space<hbm>> -> memref<10000x128xf32, #tpu.memory_space<hbm>>
    tpu.enqueue_indirect_dma source(%dma_start3A_21 : memref<10000x128xf32, #tpu.memory_space<hbm>>) target(%dma_start3A_15 : memref<40x128xf32, #tpu.memory_space<vmem>>) offsets(%dma_start3A_18 : memref<40xi32, #tpu.memory_space<vmem>>) semaphore(%arg7 : memref<!tpu.dma_semaphore, #tpu.memory_space<semaphore_mem>>)
    %dma_start3A_22 = arith.constant 2 : i32
    %dma_start3A_23 = arith.constant 80 : i32
    %dma_start3A_24 = arith.constant 0 : i32
    %dma_start3A_25 = tpu.memref_slice %arg6[%dma_start3A_23, %dma_start3A_24] : memref<200x128xf32, #tpu.memory_space<vmem>> -> memref<40x128xf32, #tpu.memory_space<vmem>>
    %dma_start3A_26 = arith.constant 0 : i32
    %dma_start3A_27 = tpu.memref_slice %arg5[%dma_start3A_22, %dma_start3A_26] : memref<125x40xi32, #tpu.memory_space<vmem>> -> memref<1x40xi32, #tpu.memory_space<vmem>>
    %dma_start3A_28 = tpu.memref_squeeze %dma_start3A_27 : memref<1x40xi32, #tpu.memory_space<vmem>> -> memref<40xi32, #tpu.memory_space<vmem>>
    %dma_start3A_29 = arith.constant 0 : i32
    %dma_start3A_30 = arith.constant 0 : i32
    %dma_start3A_31 = tpu.memref_slice %arg2[%dma_start3A_29, %dma_start3A_30] : memref<10000x128xf32, #tpu.memory_space<hbm>> -> memref<10000x128xf32, #tpu.memory_space<hbm>>
    tpu.enqueue_indirect_dma source(%dma_start3A_31 : memref<10000x128xf32, #tpu.memory_space<hbm>>) target(%dma_start3A_25 : memref<40x128xf32, #tpu.memory_space<vmem>>) offsets(%dma_start3A_28 : memref<40xi32, #tpu.memory_space<vmem>>) semaphore(%arg7 : memref<!tpu.dma_semaphore, #tpu.memory_space<semaphore_mem>>)
    %dma_start3A_32 = arith.constant 3 : i32
    %dma_start3A_33 = arith.constant 120 : i32
    %dma_start3A_34 = arith.constant 0 : i32
    %dma_start3A_35 = tpu.memref_slice %arg6[%dma_start3A_33, %dma_start3A_34] : memref<200x128xf32, #tpu.memory_space<vmem>> -> memref<40x128xf32, #tpu.memory_space<vmem>>
    %dma_start3A_36 = arith.constant 0 : i32
    %dma_start3A_37 = tpu.memref_slice %arg5[%dma_start3A_32, %dma_start3A_36] : memref<125x40xi32, #tpu.memory_space<vmem>> -> memref<1x40xi32, #tpu.memory_space<vmem>>
    %dma_start3A_38 = tpu.memref_squeeze %dma_start3A_37 : memref<1x40xi32, #tpu.memory_space<vmem>> -> memref<40xi32, #tpu.memory_space<vmem>>
    %dma_start3A_39 = arith.constant 0 : i32
    %dma_start3A_40 = arith.constant 0 : i32
    %dma_start3A_41 = tpu.memref_slice %arg2[%dma_start3A_39, %dma_start3A_40] : memref<10000x128xf32, #tpu.memory_space<hbm>> -> memref<10000x128xf32, #tpu.memory_space<hbm>>
    tpu.enqueue_indirect_dma source(%dma_start3A_41 : memref<10000x128xf32, #tpu.memory_space<hbm>>) target(%dma_start3A_35 : memref<40x128xf32, #tpu.memory_space<vmem>>) offsets(%dma_start3A_38 : memref<40xi32, #tpu.memory_space<vmem>>) semaphore(%arg7 : memref<!tpu.dma_semaphore, #tpu.memory_space<semaphore_mem>>)
    %scan3A = arith.constant 0 : i32
    %scan3A_42 = arith.constant 0 : i32
    %scan3A_43 = arith.constant 125 : i32
    %scan3A_44 = arith.addi %scan3A_42, %scan3A_43 : i32
    %scan3A_45 = arith.constant 1 : i32
    scf.for %scan3A_106 = %scan3A_42 to %scan3A_44 step %scan3A_45  : i32 {
      %jit3A = arith.constant 5 : i32
      %eq3A = arith.constant 0 : i32
      %eq3A_107 = arith.cmpi eq, %jit3A, %eq3A : i32
      %jit3A_108 = arith.constant 1 : i32
      %select_n3A = arith.select %eq3A_107, %jit3A_108, %jit3A : i32
      %rem3A = arith.remsi %scan3A_106, %select_n3A : i32
      %ne3A = arith.constant 0 : i32
      %ne3A_109 = arith.cmpi ne, %rem3A, %ne3A : i32
      %lt3A = arith.constant 0 : i32
      %lt3A_110 = arith.cmpi slt, %rem3A, %lt3A : i32
      %lt3A_111 = arith.constant 0 : i32
      %lt3A_112 = arith.cmpi slt, %select_n3A, %lt3A_111 : i32
      %ne3A_113 = arith.xori %lt3A_110, %lt3A_112 : i1
      %and3A = arith.andi %ne3A_113, %ne3A_109 : i1
      %add3A_114 = arith.addi %rem3A, %select_n3A : i32
      %select_n3A_115 = arith.select %and3A, %add3A_114, %rem3A : i32
      %mul3A_116 = arith.constant 40 : i32
      %mul3A_117 = arith.muli %select_n3A_115, %mul3A_116 : i32
      %dma_wait3A_118 = arith.constant 0 : i32
      %dma_wait3A_119 = tpu.memref_slice %arg6[%mul3A_117, %dma_wait3A_118] : memref<200x128xf32, #tpu.memory_space<vmem>> -> memref<40x128xf32, #tpu.memory_space<vmem>>
      %dma_wait3A_120 = arith.constant 0 : i32
      %dma_wait3A_121 = tpu.memref_slice %arg5[%scan3A_106, %dma_wait3A_120] : memref<125x40xi32, #tpu.memory_space<vmem>> -> memref<1x40xi32, #tpu.memory_space<vmem>>
      %dma_wait3A_122 = tpu.memref_squeeze %dma_wait3A_121 : memref<1x40xi32, #tpu.memory_space<vmem>> -> memref<40xi32, #tpu.memory_space<vmem>>
      %dma_wait3A_123 = arith.constant 0 : i32
      %dma_wait3A_124 = arith.constant 0 : i32
      %dma_wait3A_125 = tpu.memref_slice %arg2[%dma_wait3A_123, %dma_wait3A_124] : memref<10000x128xf32, #tpu.memory_space<hbm>> -> memref<10000x128xf32, #tpu.memory_space<hbm>>
      tpu.wait_indirect_dma semaphore(%arg7 : memref<!tpu.dma_semaphore, #tpu.memory_space<semaphore_mem>>) src(%dma_wait3A_125 : memref<10000x128xf32, #tpu.memory_space<hbm>>) dst(%dma_wait3A_119 : memref<40x128xf32, #tpu.memory_space<vmem>>)
      %jit3A_126 = arith.constant 5 : i32
      %eq3A_127 = arith.constant 0 : i32
      %eq3A_128 = arith.cmpi eq, %jit3A_126, %eq3A_127 : i32
      %jit3A_129 = arith.constant 1 : i32
      %select_n3A_130 = arith.select %eq3A_128, %jit3A_129, %jit3A_126 : i32
      %rem3A_131 = arith.remsi %scan3A_106, %select_n3A_130 : i32
      %ne3A_132 = arith.constant 0 : i32
      %ne3A_133 = arith.cmpi ne, %rem3A_131, %ne3A_132 : i32
      %lt3A_134 = arith.constant 0 : i32
      %lt3A_135 = arith.cmpi slt, %rem3A_131, %lt3A_134 : i32
      %lt3A_136 = arith.constant 0 : i32
      %lt3A_137 = arith.cmpi slt, %select_n3A_130, %lt3A_136 : i32
      %ne3A_138 = arith.xori %lt3A_135, %lt3A_137 : i1
      %and3A_139 = arith.andi %ne3A_138, %ne3A_133 : i1
      %add3A_140 = arith.addi %rem3A_131, %select_n3A_130 : i32
      %select_n3A_141 = arith.select %and3A_139, %add3A_140, %rem3A_131 : i32
      %mul3A_142 = arith.constant 40 : i32
      %mul3A_143 = arith.muli %select_n3A_141, %mul3A_142 : i32
      %mul3A_144 = arith.constant 40 : i32
      %mul3A_145 = arith.muli %scan3A_106, %mul3A_144 : i32
      %add3A_146 = arith.addi %mul3A_2, %mul3A_145 : i32
      %dma_start3A_147 = arith.constant 0 : i32
      %dma_start3A_148 = tpu.memref_slice %arg6[%mul3A_143, %dma_start3A_147] : memref<200x128xf32, #tpu.memory_space<vmem>> -> memref<40x128xf32, #tpu.memory_space<vmem>>
      %dma_start3A_149 = arith.constant 0 : i32
      %dma_start3A_150 = tpu.memref_slice %arg4[%add3A_146, %dma_start3A_149] : memref<160000x128xf32, #tpu.memory_space<hbm>> -> memref<40x128xf32, #tpu.memory_space<hbm>>
      %dma_start3A_151 = arith.constant 0 : i32
      %dma_start3A_152 = tpu.memref_slice %arg4[%add3A_146, %dma_start3A_151] : memref<160000x128xf32, #tpu.memory_space<hbm>> -> memref<40x128xf32, #tpu.memory_space<hbm>>
      %dma_start3A_153 = arith.constant 0 : i32
      %dma_start3A_154 = tpu.memref_slice %arg6[%mul3A_143, %dma_start3A_153] : memref<200x128xf32, #tpu.memory_space<vmem>> -> memref<40x128xf32, #tpu.memory_space<vmem>>
      tpu.enqueue_dma source(%dma_start3A_154 : memref<40x128xf32, #tpu.memory_space<vmem>>) target(%dma_start3A_152 : memref<40x128xf32, #tpu.memory_space<hbm>>) target_semaphore(%arg8 : memref<!tpu.dma_semaphore, #tpu.memory_space<semaphore_mem>>)
      %add3A_155 = arith.constant 5 : i32
      %add3A_156 = arith.addi %scan3A_106, %add3A_155 : i32
      %sub3A = arith.constant 1 : i32
      %sub3A_157 = arith.subi %add3A_156, %sub3A : i32
      %ge3A = arith.constant 5 : i32
      %ge3A_158 = arith.cmpi sge, %sub3A_157, %ge3A : i32
      %lt3A_159 = arith.constant 125 : i32
      %lt3A_160 = arith.cmpi slt, %sub3A_157, %lt3A_159 : i32
      %and3A_161 = arith.andi %ge3A_158, %lt3A_160 : i1
      %convert_element_type3A = arith.extui %and3A_161 : i1 to i32
      %cond3A = arith.constant 0 : i32
      %cond3A_162 = arith.cmpi ne, %convert_element_type3A, %cond3A : i32
      scf.if %cond3A_162 {
        %add3A_168 = arith.constant 0 : i32
        %add3A_169 = arith.addi %mul3A_2, %add3A_168 : i32
        %dma_wait3A_170 = arith.constant 0 : i32
        %dma_wait3A_171 = arith.constant 0 : i32
        %dma_wait3A_172 = tpu.memref_slice %arg6[%dma_wait3A_170, %dma_wait3A_171] : memref<200x128xf32, #tpu.memory_space<vmem>> -> memref<40x128xf32, #tpu.memory_space<vmem>>
        %dma_wait3A_173 = arith.constant 0 : i32
        %dma_wait3A_174 = tpu.memref_slice %arg4[%add3A_169, %dma_wait3A_173] : memref<160000x128xf32, #tpu.memory_space<hbm>> -> memref<40x128xf32, #tpu.memory_space<hbm>>
        %dma_wait3A_175 = arith.constant 0 : i32
        %dma_wait3A_176 = tpu.memref_slice %arg4[%add3A_169, %dma_wait3A_175] : memref<160000x128xf32, #tpu.memory_space<hbm>> -> memref<40x128xf32, #tpu.memory_space<hbm>>
        %dma_wait3A_177 = arith.constant 0 : i32
        %dma_wait3A_178 = arith.constant 0 : i32
        %dma_wait3A_179 = tpu.memref_slice %arg6[%dma_wait3A_177, %dma_wait3A_178] : memref<200x128xf32, #tpu.memory_space<vmem>> -> memref<40x128xf32, #tpu.memory_space<vmem>>
        tpu.wait_dma2 semaphore(%arg8 : memref<!tpu.dma_semaphore, #tpu.memory_space<semaphore_mem>>) src(%dma_wait3A_179 : memref<40x128xf32, #tpu.memory_space<vmem>>) dst(%dma_wait3A_176 : memref<40x128xf32, #tpu.memory_space<hbm>>)
        %jit3A_180 = arith.constant 5 : i32
        %eq3A_181 = arith.constant 0 : i32
        %eq3A_182 = arith.cmpi eq, %jit3A_180, %eq3A_181 : i32
        %jit3A_183 = arith.constant 1 : i32
        %select_n3A_184 = arith.select %eq3A_182, %jit3A_183, %jit3A_180 : i32
        %rem3A_185 = arith.remsi %sub3A_157, %select_n3A_184 : i32
        %ne3A_186 = arith.constant 0 : i32
        %ne3A_187 = arith.cmpi ne, %rem3A_185, %ne3A_186 : i32
        %lt3A_188 = arith.constant 0 : i32
        %lt3A_189 = arith.cmpi slt, %rem3A_185, %lt3A_188 : i32
        %lt3A_190 = arith.constant 0 : i32
        %lt3A_191 = arith.cmpi slt, %select_n3A_184, %lt3A_190 : i32
        %ne3A_192 = arith.xori %lt3A_189, %lt3A_191 : i1
        %and3A_193 = arith.andi %ne3A_192, %ne3A_187 : i1
        %add3A_194 = arith.addi %rem3A_185, %select_n3A_184 : i32
        %select_n3A_195 = arith.select %and3A_193, %add3A_194, %rem3A_185 : i32
        %mul3A_196 = arith.constant 40 : i32
        %mul3A_197 = arith.muli %select_n3A_195, %mul3A_196 : i32
        %dma_start3A_198 = arith.constant 0 : i32
        %dma_start3A_199 = tpu.memref_slice %arg6[%mul3A_197, %dma_start3A_198] : memref<200x128xf32, #tpu.memory_space<vmem>> -> memref<40x128xf32, #tpu.memory_space<vmem>>
        %dma_start3A_200 = arith.constant 0 : i32
        %dma_start3A_201 = tpu.memref_slice %arg5[%sub3A_157, %dma_start3A_200] : memref<125x40xi32, #tpu.memory_space<vmem>> -> memref<1x40xi32, #tpu.memory_space<vmem>>
        %dma_start3A_202 = tpu.memref_squeeze %dma_start3A_201 : memref<1x40xi32, #tpu.memory_space<vmem>> -> memref<40xi32, #tpu.memory_space<vmem>>
        %dma_start3A_203 = arith.constant 0 : i32
        %dma_start3A_204 = arith.constant 0 : i32
        %dma_start3A_205 = tpu.memref_slice %arg2[%dma_start3A_203, %dma_start3A_204] : memref<10000x128xf32, #tpu.memory_space<hbm>> -> memref<10000x128xf32, #tpu.memory_space<hbm>>
        tpu.enqueue_indirect_dma source(%dma_start3A_205 : memref<10000x128xf32, #tpu.memory_space<hbm>>) target(%dma_start3A_199 : memref<40x128xf32, #tpu.memory_space<vmem>>) offsets(%dma_start3A_202 : memref<40xi32, #tpu.memory_space<vmem>>) semaphore(%arg7 : memref<!tpu.dma_semaphore, #tpu.memory_space<semaphore_mem>>)
      } else {
      }
      %eq3A_163 = arith.constant 4 : i32
      %eq3A_164 = arith.cmpi eq, %sub3A_157, %eq3A_163 : i32
      %convert_element_type3A_165 = arith.extui %eq3A_164 : i1 to i32
      %cond3A_166 = arith.constant 0 : i32
      %cond3A_167 = arith.cmpi ne, %convert_element_type3A_165, %cond3A_166 : i32
      scf.if %cond3A_167 {
        %dma_start3A_168 = arith.constant 4 : i32
        %dma_start3A_169 = arith.constant 160 : i32
        %dma_start3A_170 = arith.constant 0 : i32
        %dma_start3A_171 = tpu.memref_slice %arg6[%dma_start3A_169, %dma_start3A_170] : memref<200x128xf32, #tpu.memory_space<vmem>> -> memref<40x128xf32, #tpu.memory_space<vmem>>
        %dma_start3A_172 = arith.constant 0 : i32
        %dma_start3A_173 = tpu.memref_slice %arg5[%dma_start3A_168, %dma_start3A_172] : memref<125x40xi32, #tpu.memory_space<vmem>> -> memref<1x40xi32, #tpu.memory_space<vmem>>
        %dma_start3A_174 = tpu.memref_squeeze %dma_start3A_173 : memref<1x40xi32, #tpu.memory_space<vmem>> -> memref<40xi32, #tpu.memory_space<vmem>>
        %dma_start3A_175 = arith.constant 0 : i32
        %dma_start3A_176 = arith.constant 0 : i32
        %dma_start3A_177 = tpu.memref_slice %arg2[%dma_start3A_175, %dma_start3A_176] : memref<10000x128xf32, #tpu.memory_space<hbm>> -> memref<10000x128xf32, #tpu.memory_space<hbm>>
        tpu.enqueue_indirect_dma source(%dma_start3A_177 : memref<10000x128xf32, #tpu.memory_space<hbm>>) target(%dma_start3A_171 : memref<40x128xf32, #tpu.memory_space<vmem>>) offsets(%dma_start3A_174 : memref<40xi32, #tpu.memory_space<vmem>>) semaphore(%arg7 : memref<!tpu.dma_semaphore, #tpu.memory_space<semaphore_mem>>)
      } else {
      }
    }
    %scan3A_46 = arith.constant 125 : i32
    %add3A_47 = arith.constant 0 : i32
    %add3A_48 = arith.addi %mul3A_2, %add3A_47 : i32
    %dma_wait3A = arith.constant 0 : i32
    %dma_wait3A_49 = arith.constant 0 : i32
    %dma_wait3A_50 = tpu.memref_slice %arg6[%dma_wait3A, %dma_wait3A_49] : memref<200x128xf32, #tpu.memory_space<vmem>> -> memref<40x128xf32, #tpu.memory_space<vmem>>
    %dma_wait3A_51 = arith.constant 0 : i32
    %dma_wait3A_52 = tpu.memref_slice %arg4[%add3A_48, %dma_wait3A_51] : memref<160000x128xf32, #tpu.memory_space<hbm>> -> memref<40x128xf32, #tpu.memory_space<hbm>>
    %dma_wait3A_53 = arith.constant 0 : i32
    %dma_wait3A_54 = tpu.memref_slice %arg4[%add3A_48, %dma_wait3A_53] : memref<160000x128xf32, #tpu.memory_space<hbm>> -> memref<40x128xf32, #tpu.memory_space<hbm>>
    %dma_wait3A_55 = arith.constant 0 : i32
    %dma_wait3A_56 = arith.constant 0 : i32
    %dma_wait3A_57 = tpu.memref_slice %arg6[%dma_wait3A_55, %dma_wait3A_56] : memref<200x128xf32, #tpu.memory_space<vmem>> -> memref<40x128xf32, #tpu.memory_space<vmem>>
    tpu.wait_dma2 semaphore(%arg8 : memref<!tpu.dma_semaphore, #tpu.memory_space<semaphore_mem>>) src(%dma_wait3A_57 : memref<40x128xf32, #tpu.memory_space<vmem>>) dst(%dma_wait3A_54 : memref<40x128xf32, #tpu.memory_space<hbm>>)
    %add3A_58 = arith.constant 0 : i32
    %add3A_59 = arith.addi %mul3A_2, %add3A_58 : i32
    %dma_wait3A_60 = arith.constant 0 : i32
    %dma_wait3A_61 = arith.constant 0 : i32
    %dma_wait3A_62 = tpu.memref_slice %arg6[%dma_wait3A_60, %dma_wait3A_61] : memref<200x128xf32, #tpu.memory_space<vmem>> -> memref<40x128xf32, #tpu.memory_space<vmem>>
    %dma_wait3A_63 = arith.constant 0 : i32
    %dma_wait3A_64 = tpu.memref_slice %arg4[%add3A_59, %dma_wait3A_63] : memref<160000x128xf32, #tpu.memory_space<hbm>> -> memref<40x128xf32, #tpu.memory_space<hbm>>
    %dma_wait3A_65 = arith.constant 0 : i32
    %dma_wait3A_66 = tpu.memref_slice %arg4[%add3A_59, %dma_wait3A_65] : memref<160000x128xf32, #tpu.memory_space<hbm>> -> memref<40x128xf32, #tpu.memory_space<hbm>>
    %dma_wait3A_67 = arith.constant 0 : i32
    %dma_wait3A_68 = arith.constant 0 : i32
    %dma_wait3A_69 = tpu.memref_slice %arg6[%dma_wait3A_67, %dma_wait3A_68] : memref<200x128xf32, #tpu.memory_space<vmem>> -> memref<40x128xf32, #tpu.memory_space<vmem>>
    tpu.wait_dma2 semaphore(%arg8 : memref<!tpu.dma_semaphore, #tpu.memory_space<semaphore_mem>>) src(%dma_wait3A_69 : memref<40x128xf32, #tpu.memory_space<vmem>>) dst(%dma_wait3A_66 : memref<40x128xf32, #tpu.memory_space<hbm>>)
    %add3A_70 = arith.constant 0 : i32
    %add3A_71 = arith.addi %mul3A_2, %add3A_70 : i32
    %dma_wait3A_72 = arith.constant 0 : i32
    %dma_wait3A_73 = arith.constant 0 : i32
    %dma_wait3A_74 = tpu.memref_slice %arg6[%dma_wait3A_72, %dma_wait3A_73] : memref<200x128xf32, #tpu.memory_space<vmem>> -> memref<40x128xf32, #tpu.memory_space<vmem>>
    %dma_wait3A_75 = arith.constant 0 : i32
    %dma_wait3A_76 = tpu.memref_slice %arg4[%add3A_71, %dma_wait3A_75] : memref<160000x128xf32, #tpu.memory_space<hbm>> -> memref<40x128xf32, #tpu.memory_space<hbm>>
    %dma_wait3A_77 = arith.constant 0 : i32
    %dma_wait3A_78 = tpu.memref_slice %arg4[%add3A_71, %dma_wait3A_77] : memref<160000x128xf32, #tpu.memory_space<hbm>> -> memref<40x128xf32, #tpu.memory_space<hbm>>
    %dma_wait3A_79 = arith.constant 0 : i32
    %dma_wait3A_80 = arith.constant 0 : i32
    %dma_wait3A_81 = tpu.memref_slice %arg6[%dma_wait3A_79, %dma_wait3A_80] : memref<200x128xf32, #tpu.memory_space<vmem>> -> memref<40x128xf32, #tpu.memory_space<vmem>>
    tpu.wait_dma2 semaphore(%arg8 : memref<!tpu.dma_semaphore, #tpu.memory_space<semaphore_mem>>) src(%dma_wait3A_81 : memref<40x128xf32, #tpu.memory_space<vmem>>) dst(%dma_wait3A_78 : memref<40x128xf32, #tpu.memory_space<hbm>>)
    %add3A_82 = arith.constant 0 : i32
    %add3A_83 = arith.addi %mul3A_2, %add3A_82 : i32
    %dma_wait3A_84 = arith.constant 0 : i32
    %dma_wait3A_85 = arith.constant 0 : i32
    %dma_wait3A_86 = tpu.memref_slice %arg6[%dma_wait3A_84, %dma_wait3A_85] : memref<200x128xf32, #tpu.memory_space<vmem>> -> memref<40x128xf32, #tpu.memory_space<vmem>>
    %dma_wait3A_87 = arith.constant 0 : i32
    %dma_wait3A_88 = tpu.memref_slice %arg4[%add3A_83, %dma_wait3A_87] : memref<160000x128xf32, #tpu.memory_space<hbm>> -> memref<40x128xf32, #tpu.memory_space<hbm>>
    %dma_wait3A_89 = arith.constant 0 : i32
    %dma_wait3A_90 = tpu.memref_slice %arg4[%add3A_83, %dma_wait3A_89] : memref<160000x128xf32, #tpu.memory_space<hbm>> -> memref<40x128xf32, #tpu.memory_space<hbm>>
    %dma_wait3A_91 = arith.constant 0 : i32
    %dma_wait3A_92 = arith.constant 0 : i32
    %dma_wait3A_93 = tpu.memref_slice %arg6[%dma_wait3A_91, %dma_wait3A_92] : memref<200x128xf32, #tpu.memory_space<vmem>> -> memref<40x128xf32, #tpu.memory_space<vmem>>
    tpu.wait_dma2 semaphore(%arg8 : memref<!tpu.dma_semaphore, #tpu.memory_space<semaphore_mem>>) src(%dma_wait3A_93 : memref<40x128xf32, #tpu.memory_space<vmem>>) dst(%dma_wait3A_90 : memref<40x128xf32, #tpu.memory_space<hbm>>)
    %add3A_94 = arith.constant 0 : i32
    %add3A_95 = arith.addi %mul3A_2, %add3A_94 : i32
    %dma_wait3A_96 = arith.constant 0 : i32
    %dma_wait3A_97 = arith.constant 0 : i32
    %dma_wait3A_98 = tpu.memref_slice %arg6[%dma_wait3A_96, %dma_wait3A_97] : memref<200x128xf32, #tpu.memory_space<vmem>> -> memref<40x128xf32, #tpu.memory_space<vmem>>
    %dma_wait3A_99 = arith.constant 0 : i32
    %dma_wait3A_100 = tpu.memref_slice %arg4[%add3A_95, %dma_wait3A_99] : memref<160000x128xf32, #tpu.memory_space<hbm>> -> memref<40x128xf32, #tpu.memory_space<hbm>>
    %dma_wait3A_101 = arith.constant 0 : i32
    %dma_wait3A_102 = tpu.memref_slice %arg4[%add3A_95, %dma_wait3A_101] : memref<160000x128xf32, #tpu.memory_space<hbm>> -> memref<40x128xf32, #tpu.memory_space<hbm>>
    %dma_wait3A_103 = arith.constant 0 : i32
    %dma_wait3A_104 = arith.constant 0 : i32
    %dma_wait3A_105 = tpu.memref_slice %arg6[%dma_wait3A_103, %dma_wait3A_104] : memref<200x128xf32, #tpu.memory_space<vmem>> -> memref<40x128xf32, #tpu.memory_space<vmem>>
    tpu.wait_dma2 semaphore(%arg8 : memref<!tpu.dma_semaphore, #tpu.memory_space<semaphore_mem>>) src(%dma_wait3A_105 : memref<40x128xf32, #tpu.memory_space<vmem>>) dst(%dma_wait3A_102 : memref<40x128xf32, #tpu.memory_space<hbm>>)
    return
  }
}

#map = affine_map<(d0, d1) -> (0, 0)>
#map1 = affine_map<(d0, d1) -> (0, 0, 0)>
module attributes {stable_mosaic.version = 14 : i64} {
  func.func @gather_k(%arg0: i32, %arg1: i32, %arg2: memref<10000x128xf32, #tpu.memory_space<hbm>>, %arg3: memref<32x125x40xi32, #tpu.memory_space<hbm>>, %arg4: memref<160000x128xf32, #tpu.memory_space<hbm>>, %arg5: memref<125x40xi32, #tpu.memory_space<vmem>>, %arg6: memref<200x128xf32, #tpu.memory_space<vmem>>, %arg7: memref<!tpu.dma_semaphore, #tpu.memory_space<semaphore_mem>>, %arg8: memref<!tpu.dma_semaphore, #tpu.memory_space<semaphore_mem>>) attributes {dimension_semantics = [#tpu.dimension_semantics<core_parallel>, #tpu.dimension_semantics<subcore_parallel>], iteration_bounds = array<i64: 2, 16>, scalar_prefetch = 0 : i64, scratch_operands = 4 : i64, tpu.core_type = #tpu.core_type<sc_vector_subcore>, window_params = [{transform_indices = #map}, {transform_indices = #map1}, {transform_indices = #map}]} {
    %mul3A = arith.constant 2 : i32
    %mul3A_0 = arith.muli %arg1, %mul3A : i32
    %add3A = arith.addi %mul3A_0, %arg0 : i32
    "tpu.region"() ({
      %run_scoped3A = tpu.sem_alloc : memref<!tpu.dma_semaphore, #tpu.memory_space<semaphore_mem>>
      %dma_start3A_106 = arith.constant 0 : i32
      %dma_start3A_107 = arith.constant 0 : i32
      %dma_start3A_108 = tpu.memref_slice %arg3[%add3A, %dma_start3A_106, %dma_start3A_107] : memref<32x125x40xi32, #tpu.memory_space<hbm>> -> memref<1x125x40xi32, #tpu.memory_space<hbm>>
      %dma_start3A_109 = tpu.memref_squeeze %dma_start3A_108 : memref<1x125x40xi32, #tpu.memory_space<hbm>> -> memref<125x40xi32, #tpu.memory_space<hbm>>
      %dma_start3A_110 = arith.constant 0 : i32
      %dma_start3A_111 = arith.constant 0 : i32
      %dma_start3A_112 = tpu.memref_slice %arg3[%add3A, %dma_start3A_110, %dma_start3A_111] : memref<32x125x40xi32, #tpu.memory_space<hbm>> -> memref<1x125x40xi32, #tpu.memory_space<hbm>>
      %dma_start3A_113 = tpu.memref_squeeze %dma_start3A_112 : memref<1x125x40xi32, #tpu.memory_space<hbm>> -> memref<125x40xi32, #tpu.memory_space<hbm>>
      tpu.enqueue_dma source(%dma_start3A_113 : memref<125x40xi32, #tpu.memory_space<hbm>>) target(%arg5 : memref<125x40xi32, #tpu.memory_space<vmem>>) target_semaphore(%run_scoped3A : memref<!tpu.dma_semaphore, #tpu.memory_space<semaphore_mem>>)
      %dma_wait3A_114 = arith.constant 0 : i32
      %dma_wait3A_115 = arith.constant 0 : i32
      %dma_wait3A_116 = tpu.memref_slice %arg3[%add3A, %dma_wait3A_114, %dma_wait3A_115] : memref<32x125x40xi32, #tpu.memory_space<hbm>> -> memref<1x125x40xi32, #tpu.memory_space<hbm>>
      %dma_wait3A_117 = tpu.memref_squeeze %dma_wait3A_116 : memref<1x125x40xi32, #tpu.memory_space<hbm>> -> memref<125x40xi32, #tpu.memory_space<hbm>>
      %dma_wait3A_118 = arith.constant 0 : i32
      %dma_wait3A_119 = arith.constant 0 : i32
      %dma_wait3A_120 = tpu.memref_slice %arg3[%add3A, %dma_wait3A_118, %dma_wait3A_119] : memref<32x125x40xi32, #tpu.memory_space<hbm>> -> memref<1x125x40xi32, #tpu.memory_space<hbm>>
      %dma_wait3A_121 = tpu.memref_squeeze %dma_wait3A_120 : memref<1x125x40xi32, #tpu.memory_space<hbm>> -> memref<125x40xi32, #tpu.memory_space<hbm>>
      tpu.wait_dma2 semaphore(%run_scoped3A : memref<!tpu.dma_semaphore, #tpu.memory_space<semaphore_mem>>) src(%dma_wait3A_121 : memref<125x40xi32, #tpu.memory_space<hbm>>) dst(%arg5 : memref<125x40xi32, #tpu.memory_space<vmem>>)
      tpu.yield
    }) : () -> ()
    %mul3A_1 = arith.constant 5000 : i32
    %mul3A_2 = arith.muli %add3A, %mul3A_1 : i32
    %dma_start3A = arith.constant 0 : i32
    %dma_start3A_3 = arith.constant 0 : i32
    %dma_start3A_4 = arith.constant 0 : i32
    %dma_start3A_5 = tpu.memref_slice %arg6[%dma_start3A_3, %dma_start3A_4] : memref<200x128xf32, #tpu.memory_space<vmem>> -> memref<40x128xf32, #tpu.memory_space<vmem>>
    %dma_start3A_6 = arith.constant 0 : i32
    %dma_start3A_7 = tpu.memref_slice %arg5[%dma_start3A, %dma_start3A_6] : memref<125x40xi32, #tpu.memory_space<vmem>> -> memref<1x40xi32, #tpu.memory_space<vmem>>
    %dma_start3A_8 = tpu.memref_squeeze %dma_start3A_7 : memref<1x40xi32, #tpu.memory_space<vmem>> -> memref<40xi32, #tpu.memory_space<vmem>>
    %dma_start3A_9 = arith.constant 0 : i32
    %dma_start3A_10 = arith.constant 0 : i32
    %dma_start3A_11 = tpu.memref_slice %arg2[%dma_start3A_9, %dma_start3A_10] : memref<10000x128xf32, #tpu.memory_space<hbm>> -> memref<10000x128xf32, #tpu.memory_space<hbm>>
    tpu.enqueue_indirect_dma source(%dma_start3A_11 : memref<10000x128xf32, #tpu.memory_space<hbm>>) target(%dma_start3A_5 : memref<40x128xf32, #tpu.memory_space<vmem>>) offsets(%dma_start3A_8 : memref<40xi32, #tpu.memory_space<vmem>>) semaphore(%arg7 : memref<!tpu.dma_semaphore, #tpu.memory_space<semaphore_mem>>)
    %dma_start3A_12 = arith.constant 1 : i32
    %dma_start3A_13 = arith.constant 40 : i32
    %dma_start3A_14 = arith.constant 0 : i32
    %dma_start3A_15 = tpu.memref_slice %arg6[%dma_start3A_13, %dma_start3A_14] : memref<200x128xf32, #tpu.memory_space<vmem>> -> memref<40x128xf32, #tpu.memory_space<vmem>>
    %dma_start3A_16 = arith.constant 0 : i32
    %dma_start3A_17 = tpu.memref_slice %arg5[%dma_start3A_12, %dma_start3A_16] : memref<125x40xi32, #tpu.memory_space<vmem>> -> memref<1x40xi32, #tpu.memory_space<vmem>>
    %dma_start3A_18 = tpu.memref_squeeze %dma_start3A_17 : memref<1x40xi32, #tpu.memory_space<vmem>> -> memref<40xi32, #tpu.memory_space<vmem>>
    %dma_start3A_19 = arith.constant 0 : i32
    %dma_start3A_20 = arith.constant 0 : i32
    %dma_start3A_21 = tpu.memref_slice %arg2[%dma_start3A_19, %dma_start3A_20] : memref<10000x128xf32, #tpu.memory_space<hbm>> -> memref<10000x128xf32, #tpu.memory_space<hbm>>
    tpu.enqueue_indirect_dma source(%dma_start3A_21 : memref<10000x128xf32, #tpu.memory_space<hbm>>) target(%dma_start3A_15 : memref<40x128xf32, #tpu.memory_space<vmem>>) offsets(%dma_start3A_18 : memref<40xi32, #tpu.memory_space<vmem>>) semaphore(%arg7 : memref<!tpu.dma_semaphore, #tpu.memory_space<semaphore_mem>>)
    %dma_start3A_22 = arith.constant 2 : i32
    %dma_start3A_23 = arith.constant 80 : i32
    %dma_start3A_24 = arith.constant 0 : i32
    %dma_start3A_25 = tpu.memref_slice %arg6[%dma_start3A_23, %dma_start3A_24] : memref<200x128xf32, #tpu.memory_space<vmem>> -> memref<40x128xf32, #tpu.memory_space<vmem>>
    %dma_start3A_26 = arith.constant 0 : i32
    %dma_start3A_27 = tpu.memref_slice %arg5[%dma_start3A_22, %dma_start3A_26] : memref<125x40xi32, #tpu.memory_space<vmem>> -> memref<1x40xi32, #tpu.memory_space<vmem>>
    %dma_start3A_28 = tpu.memref_squeeze %dma_start3A_27 : memref<1x40xi32, #tpu.memory_space<vmem>> -> memref<40xi32, #tpu.memory_space<vmem>>
    %dma_start3A_29 = arith.constant 0 : i32
    %dma_start3A_30 = arith.constant 0 : i32
    %dma_start3A_31 = tpu.memref_slice %arg2[%dma_start3A_29, %dma_start3A_30] : memref<10000x128xf32, #tpu.memory_space<hbm>> -> memref<10000x128xf32, #tpu.memory_space<hbm>>
    tpu.enqueue_indirect_dma source(%dma_start3A_31 : memref<10000x128xf32, #tpu.memory_space<hbm>>) target(%dma_start3A_25 : memref<40x128xf32, #tpu.memory_space<vmem>>) offsets(%dma_start3A_28 : memref<40xi32, #tpu.memory_space<vmem>>) semaphore(%arg7 : memref<!tpu.dma_semaphore, #tpu.memory_space<semaphore_mem>>)
    %dma_start3A_32 = arith.constant 3 : i32
    %dma_start3A_33 = arith.constant 120 : i32
    %dma_start3A_34 = arith.constant 0 : i32
    %dma_start3A_35 = tpu.memref_slice %arg6[%dma_start3A_33, %dma_start3A_34] : memref<200x128xf32, #tpu.memory_space<vmem>> -> memref<40x128xf32, #tpu.memory_space<vmem>>
    %dma_start3A_36 = arith.constant 0 : i32
    %dma_start3A_37 = tpu.memref_slice %arg5[%dma_start3A_32, %dma_start3A_36] : memref<125x40xi32, #tpu.memory_space<vmem>> -> memref<1x40xi32, #tpu.memory_space<vmem>>
    %dma_start3A_38 = tpu.memref_squeeze %dma_start3A_37 : memref<1x40xi32, #tpu.memory_space<vmem>> -> memref<40xi32, #tpu.memory_space<vmem>>
    %dma_start3A_39 = arith.constant 0 : i32
    %dma_start3A_40 = arith.constant 0 : i32
    %dma_start3A_41 = tpu.memref_slice %arg2[%dma_start3A_39, %dma_start3A_40] : memref<10000x128xf32, #tpu.memory_space<hbm>> -> memref<10000x128xf32, #tpu.memory_space<hbm>>
    tpu.enqueue_indirect_dma source(%dma_start3A_41 : memref<10000x128xf32, #tpu.memory_space<hbm>>) target(%dma_start3A_35 : memref<40x128xf32, #tpu.memory_space<vmem>>) offsets(%dma_start3A_38 : memref<40xi32, #tpu.memory_space<vmem>>) semaphore(%arg7 : memref<!tpu.dma_semaphore, #tpu.memory_space<semaphore_mem>>)
    %scan3A = arith.constant 0 : i32
    %scan3A_42 = arith.constant 0 : i32
    %scan3A_43 = arith.constant 125 : i32
    %scan3A_44 = arith.addi %scan3A_42, %scan3A_43 : i32
    %scan3A_45 = arith.constant 1 : i32
    scf.for %scan3A_106 = %scan3A_42 to %scan3A_44 step %scan3A_45  : i32 {
      %jit3A = arith.constant 5 : i32
      %eq3A = arith.constant 0 : i32
      %eq3A_107 = arith.cmpi eq, %jit3A, %eq3A : i32
      %jit3A_108 = arith.constant 1 : i32
      %select_n3A = arith.select %eq3A_107, %jit3A_108, %jit3A : i32
      %rem3A = arith.remsi %scan3A_106, %select_n3A : i32
      %ne3A = arith.constant 0 : i32
      %ne3A_109 = arith.cmpi ne, %rem3A, %ne3A : i32
      %lt3A = arith.constant 0 : i32
      %lt3A_110 = arith.cmpi slt, %rem3A, %lt3A : i32
      %lt3A_111 = arith.constant 0 : i32
      %lt3A_112 = arith.cmpi slt, %select_n3A, %lt3A_111 : i32
      %ne3A_113 = arith.xori %lt3A_110, %lt3A_112 : i1
      %and3A = arith.andi %ne3A_113, %ne3A_109 : i1
      %add3A_114 = arith.addi %rem3A, %select_n3A : i32
      %select_n3A_115 = arith.select %and3A, %add3A_114, %rem3A : i32
      %mul3A_116 = arith.constant 40 : i32
      %mul3A_117 = arith.muli %select_n3A_115, %mul3A_116 : i32
      %dma_wait3A_118 = arith.constant 0 : i32
      %dma_wait3A_119 = tpu.memref_slice %arg6[%mul3A_117, %dma_wait3A_118] : memref<200x128xf32, #tpu.memory_space<vmem>> -> memref<40x128xf32, #tpu.memory_space<vmem>>
      %dma_wait3A_120 = arith.constant 0 : i32
      %dma_wait3A_121 = tpu.memref_slice %arg5[%scan3A_106, %dma_wait3A_120] : memref<125x40xi32, #tpu.memory_space<vmem>> -> memref<1x40xi32, #tpu.memory_space<vmem>>
      %dma_wait3A_122 = tpu.memref_squeeze %dma_wait3A_121 : memref<1x40xi32, #tpu.memory_space<vmem>> -> memref<40xi32, #tpu.memory_space<vmem>>
      %dma_wait3A_123 = arith.constant 0 : i32
      %dma_wait3A_124 = arith.constant 0 : i32
      %dma_wait3A_125 = tpu.memref_slice %arg2[%dma_wait3A_123, %dma_wait3A_124] : memref<10000x128xf32, #tpu.memory_space<hbm>> -> memref<10000x128xf32, #tpu.memory_space<hbm>>
      tpu.wait_indirect_dma semaphore(%arg7 : memref<!tpu.dma_semaphore, #tpu.memory_space<semaphore_mem>>) src(%dma_wait3A_125 : memref<10000x128xf32, #tpu.memory_space<hbm>>) dst(%dma_wait3A_119 : memref<40x128xf32, #tpu.memory_space<vmem>>)
      %jit3A_126 = arith.constant 5 : i32
      %eq3A_127 = arith.constant 0 : i32
      %eq3A_128 = arith.cmpi eq, %jit3A_126, %eq3A_127 : i32
      %jit3A_129 = arith.constant 1 : i32
      %select_n3A_130 = arith.select %eq3A_128, %jit3A_129, %jit3A_126 : i32
      %rem3A_131 = arith.remsi %scan3A_106, %select_n3A_130 : i32
      %ne3A_132 = arith.constant 0 : i32
      %ne3A_133 = arith.cmpi ne, %rem3A_131, %ne3A_132 : i32
      %lt3A_134 = arith.constant 0 : i32
      %lt3A_135 = arith.cmpi slt, %rem3A_131, %lt3A_134 : i32
      %lt3A_136 = arith.constant 0 : i32
      %lt3A_137 = arith.cmpi slt, %select_n3A_130, %lt3A_136 : i32
      %ne3A_138 = arith.xori %lt3A_135, %lt3A_137 : i1
      %and3A_139 = arith.andi %ne3A_138, %ne3A_133 : i1
      %add3A_140 = arith.addi %rem3A_131, %select_n3A_130 : i32
      %select_n3A_141 = arith.select %and3A_139, %add3A_140, %rem3A_131 : i32
      %mul3A_142 = arith.constant 40 : i32
      %mul3A_143 = arith.muli %select_n3A_141, %mul3A_142 : i32
      %mul3A_144 = arith.constant 40 : i32
      %mul3A_145 = arith.muli %scan3A_106, %mul3A_144 : i32
      %add3A_146 = arith.addi %mul3A_2, %mul3A_145 : i32
      %dma_start3A_147 = arith.constant 0 : i32
      %dma_start3A_148 = tpu.memref_slice %arg6[%mul3A_143, %dma_start3A_147] : memref<200x128xf32, #tpu.memory_space<vmem>> -> memref<40x128xf32, #tpu.memory_space<vmem>>
      %dma_start3A_149 = arith.constant 0 : i32
      %dma_start3A_150 = tpu.memref_slice %arg4[%add3A_146, %dma_start3A_149] : memref<160000x128xf32, #tpu.memory_space<hbm>> -> memref<40x128xf32, #tpu.memory_space<hbm>>
      %dma_start3A_151 = arith.constant 0 : i32
      %dma_start3A_152 = tpu.memref_slice %arg4[%add3A_146, %dma_start3A_151] : memref<160000x128xf32, #tpu.memory_space<hbm>> -> memref<40x128xf32, #tpu.memory_space<hbm>>
      %dma_start3A_153 = arith.constant 0 : i32
      %dma_start3A_154 = tpu.memref_slice %arg6[%mul3A_143, %dma_start3A_153] : memref<200x128xf32, #tpu.memory_space<vmem>> -> memref<40x128xf32, #tpu.memory_space<vmem>>
      tpu.enqueue_dma source(%dma_start3A_154 : memref<40x128xf32, #tpu.memory_space<vmem>>) target(%dma_start3A_152 : memref<40x128xf32, #tpu.memory_space<hbm>>) target_semaphore(%arg8 : memref<!tpu.dma_semaphore, #tpu.memory_space<semaphore_mem>>)
      %add3A_155 = arith.constant 5 : i32
      %add3A_156 = arith.addi %scan3A_106, %add3A_155 : i32
      %sub3A = arith.constant 1 : i32
      %sub3A_157 = arith.subi %add3A_156, %sub3A : i32
      %ge3A = arith.constant 5 : i32
      %ge3A_158 = arith.cmpi sge, %sub3A_157, %ge3A : i32
      %lt3A_159 = arith.constant 125 : i32
      %lt3A_160 = arith.cmpi slt, %sub3A_157, %lt3A_159 : i32
      %and3A_161 = arith.andi %ge3A_158, %lt3A_160 : i1
      %convert_element_type3A = arith.extui %and3A_161 : i1 to i32
      %cond3A = arith.constant 0 : i32
      %cond3A_162 = arith.cmpi ne, %convert_element_type3A, %cond3A : i32
      scf.if %cond3A_162 {
        %add3A_168 = arith.constant 0 : i32
        %add3A_169 = arith.addi %mul3A_2, %add3A_168 : i32
        %dma_wait3A_170 = arith.constant 0 : i32
        %dma_wait3A_171 = arith.constant 0 : i32
        %dma_wait3A_172 = tpu.memref_slice %arg6[%dma_wait3A_170, %dma_wait3A_171] : memref<200x128xf32, #tpu.memory_space<vmem>> -> memref<40x128xf32, #tpu.memory_space<vmem>>
        %dma_wait3A_173 = arith.constant 0 : i32
        %dma_wait3A_174 = tpu.memref_slice %arg4[%add3A_169, %dma_wait3A_173] : memref<160000x128xf32, #tpu.memory_space<hbm>> -> memref<40x128xf32, #tpu.memory_space<hbm>>
        %dma_wait3A_175 = arith.constant 0 : i32
        %dma_wait3A_176 = tpu.memref_slice %arg4[%add3A_169, %dma_wait3A_175] : memref<160000x128xf32, #tpu.memory_space<hbm>> -> memref<40x128xf32, #tpu.memory_space<hbm>>
        %dma_wait3A_177 = arith.constant 0 : i32
        %dma_wait3A_178 = arith.constant 0 : i32
        %dma_wait3A_179 = tpu.memref_slice %arg6[%dma_wait3A_177, %dma_wait3A_178] : memref<200x128xf32, #tpu.memory_space<vmem>> -> memref<40x128xf32, #tpu.memory_space<vmem>>
        tpu.wait_dma2 semaphore(%arg8 : memref<!tpu.dma_semaphore, #tpu.memory_space<semaphore_mem>>) src(%dma_wait3A_179 : memref<40x128xf32, #tpu.memory_space<vmem>>) dst(%dma_wait3A_176 : memref<40x128xf32, #tpu.memory_space<hbm>>)
        %jit3A_180 = arith.constant 5 : i32
        %eq3A_181 = arith.constant 0 : i32
        %eq3A_182 = arith.cmpi eq, %jit3A_180, %eq3A_181 : i32
        %jit3A_183 = arith.constant 1 : i32
        %select_n3A_184 = arith.select %eq3A_182, %jit3A_183, %jit3A_180 : i32
        %rem3A_185 = arith.remsi %sub3A_157, %select_n3A_184 : i32
        %ne3A_186 = arith.constant 0 : i32
        %ne3A_187 = arith.cmpi ne, %rem3A_185, %ne3A_186 : i32
        %lt3A_188 = arith.constant 0 : i32
        %lt3A_189 = arith.cmpi slt, %rem3A_185, %lt3A_188 : i32
        %lt3A_190 = arith.constant 0 : i32
        %lt3A_191 = arith.cmpi slt, %select_n3A_184, %lt3A_190 : i32
        %ne3A_192 = arith.xori %lt3A_189, %lt3A_191 : i1
        %and3A_193 = arith.andi %ne3A_192, %ne3A_187 : i1
        %add3A_194 = arith.addi %rem3A_185, %select_n3A_184 : i32
        %select_n3A_195 = arith.select %and3A_193, %add3A_194, %rem3A_185 : i32
        %mul3A_196 = arith.constant 40 : i32
        %mul3A_197 = arith.muli %select_n3A_195, %mul3A_196 : i32
        %dma_start3A_198 = arith.constant 0 : i32
        %dma_start3A_199 = tpu.memref_slice %arg6[%mul3A_197, %dma_start3A_198] : memref<200x128xf32, #tpu.memory_space<vmem>> -> memref<40x128xf32, #tpu.memory_space<vmem>>
        %dma_start3A_200 = arith.constant 0 : i32
        %dma_start3A_201 = tpu.memref_slice %arg5[%sub3A_157, %dma_start3A_200] : memref<125x40xi32, #tpu.memory_space<vmem>> -> memref<1x40xi32, #tpu.memory_space<vmem>>
        %dma_start3A_202 = tpu.memref_squeeze %dma_start3A_201 : memref<1x40xi32, #tpu.memory_space<vmem>> -> memref<40xi32, #tpu.memory_space<vmem>>
        %dma_start3A_203 = arith.constant 0 : i32
        %dma_start3A_204 = arith.constant 0 : i32
        %dma_start3A_205 = tpu.memref_slice %arg2[%dma_start3A_203, %dma_start3A_204] : memref<10000x128xf32, #tpu.memory_space<hbm>> -> memref<10000x128xf32, #tpu.memory_space<hbm>>
        tpu.enqueue_indirect_dma source(%dma_start3A_205 : memref<10000x128xf32, #tpu.memory_space<hbm>>) target(%dma_start3A_199 : memref<40x128xf32, #tpu.memory_space<vmem>>) offsets(%dma_start3A_202 : memref<40xi32, #tpu.memory_space<vmem>>) semaphore(%arg7 : memref<!tpu.dma_semaphore, #tpu.memory_space<semaphore_mem>>)
      } else {
      }
      %eq3A_163 = arith.constant 4 : i32
      %eq3A_164 = arith.cmpi eq, %sub3A_157, %eq3A_163 : i32
      %convert_element_type3A_165 = arith.extui %eq3A_164 : i1 to i32
      %cond3A_166 = arith.constant 0 : i32
      %cond3A_167 = arith.cmpi ne, %convert_element_type3A_165, %cond3A_166 : i32
      scf.if %cond3A_167 {
        %dma_start3A_168 = arith.constant 4 : i32
        %dma_start3A_169 = arith.constant 160 : i32
        %dma_start3A_170 = arith.constant 0 : i32
        %dma_start3A_171 = tpu.memref_slice %arg6[%dma_start3A_169, %dma_start3A_170] : memref<200x128xf32, #tpu.memory_space<vmem>> -> memref<40x128xf32, #tpu.memory_space<vmem>>
        %dma_start3A_172 = arith.constant 0 : i32
        %dma_start3A_173 = tpu.memref_slice %arg5[%dma_start3A_168, %dma_start3A_172] : memref<125x40xi32, #tpu.memory_space<vmem>> -> memref<1x40xi32, #tpu.memory_space<vmem>>
        %dma_start3A_174 = tpu.memref_squeeze %dma_start3A_173 : memref<1x40xi32, #tpu.memory_space<vmem>> -> memref<40xi32, #tpu.memory_space<vmem>>
        %dma_start3A_175 = arith.constant 0 : i32
        %dma_start3A_176 = arith.constant 0 : i32
        %dma_start3A_177 = tpu.memref_slice %arg2[%dma_start3A_175, %dma_start3A_176] : memref<10000x128xf32, #tpu.memory_space<hbm>> -> memref<10000x128xf32, #tpu.memory_space<hbm>>
        tpu.enqueue_indirect_dma source(%dma_start3A_177 : memref<10000x128xf32, #tpu.memory_space<hbm>>) target(%dma_start3A_171 : memref<40x128xf32, #tpu.memory_space<vmem>>) offsets(%dma_start3A_174 : memref<40xi32, #tpu.memory_space<vmem>>) semaphore(%arg7 : memref<!tpu.dma_semaphore, #tpu.memory_space<semaphore_mem>>)
      } else {
      }
    }
    %scan3A_46 = arith.constant 125 : i32
    %add3A_47 = arith.constant 0 : i32
    %add3A_48 = arith.addi %mul3A_2, %add3A_47 : i32
    %dma_wait3A = arith.constant 0 : i32
    %dma_wait3A_49 = arith.constant 0 : i32
    %dma_wait3A_50 = tpu.memref_slice %arg6[%dma_wait3A, %dma_wait3A_49] : memref<200x128xf32, #tpu.memory_space<vmem>> -> memref<40x128xf32, #tpu.memory_space<vmem>>
    %dma_wait3A_51 = arith.constant 0 : i32
    %dma_wait3A_52 = tpu.memref_slice %arg4[%add3A_48, %dma_wait3A_51] : memref<160000x128xf32, #tpu.memory_space<hbm>> -> memref<40x128xf32, #tpu.memory_space<hbm>>
    %dma_wait3A_53 = arith.constant 0 : i32
    %dma_wait3A_54 = tpu.memref_slice %arg4[%add3A_48, %dma_wait3A_53] : memref<160000x128xf32, #tpu.memory_space<hbm>> -> memref<40x128xf32, #tpu.memory_space<hbm>>
    %dma_wait3A_55 = arith.constant 0 : i32
    %dma_wait3A_56 = arith.constant 0 : i32
    %dma_wait3A_57 = tpu.memref_slice %arg6[%dma_wait3A_55, %dma_wait3A_56] : memref<200x128xf32, #tpu.memory_space<vmem>> -> memref<40x128xf32, #tpu.memory_space<vmem>>
    tpu.wait_dma2 semaphore(%arg8 : memref<!tpu.dma_semaphore, #tpu.memory_space<semaphore_mem>>) src(%dma_wait3A_57 : memref<40x128xf32, #tpu.memory_space<vmem>>) dst(%dma_wait3A_54 : memref<40x128xf32, #tpu.memory_space<hbm>>)
    %add3A_58 = arith.constant 0 : i32
    %add3A_59 = arith.addi %mul3A_2, %add3A_58 : i32
    %dma_wait3A_60 = arith.constant 0 : i32
    %dma_wait3A_61 = arith.constant 0 : i32
    %dma_wait3A_62 = tpu.memref_slice %arg6[%dma_wait3A_60, %dma_wait3A_61] : memref<200x128xf32, #tpu.memory_space<vmem>> -> memref<40x128xf32, #tpu.memory_space<vmem>>
    %dma_wait3A_63 = arith.constant 0 : i32
    %dma_wait3A_64 = tpu.memref_slice %arg4[%add3A_59, %dma_wait3A_63] : memref<160000x128xf32, #tpu.memory_space<hbm>> -> memref<40x128xf32, #tpu.memory_space<hbm>>
    %dma_wait3A_65 = arith.constant 0 : i32
    %dma_wait3A_66 = tpu.memref_slice %arg4[%add3A_59, %dma_wait3A_65] : memref<160000x128xf32, #tpu.memory_space<hbm>> -> memref<40x128xf32, #tpu.memory_space<hbm>>
    %dma_wait3A_67 = arith.constant 0 : i32
    %dma_wait3A_68 = arith.constant 0 : i32
    %dma_wait3A_69 = tpu.memref_slice %arg6[%dma_wait3A_67, %dma_wait3A_68] : memref<200x128xf32, #tpu.memory_space<vmem>> -> memref<40x128xf32, #tpu.memory_space<vmem>>
    tpu.wait_dma2 semaphore(%arg8 : memref<!tpu.dma_semaphore, #tpu.memory_space<semaphore_mem>>) src(%dma_wait3A_69 : memref<40x128xf32, #tpu.memory_space<vmem>>) dst(%dma_wait3A_66 : memref<40x128xf32, #tpu.memory_space<hbm>>)
    %add3A_70 = arith.constant 0 : i32
    %add3A_71 = arith.addi %mul3A_2, %add3A_70 : i32
    %dma_wait3A_72 = arith.constant 0 : i32
    %dma_wait3A_73 = arith.constant 0 : i32
    %dma_wait3A_74 = tpu.memref_slice %arg6[%dma_wait3A_72, %dma_wait3A_73] : memref<200x128xf32, #tpu.memory_space<vmem>> -> memref<40x128xf32, #tpu.memory_space<vmem>>
    %dma_wait3A_75 = arith.constant 0 : i32
    %dma_wait3A_76 = tpu.memref_slice %arg4[%add3A_71, %dma_wait3A_75] : memref<160000x128xf32, #tpu.memory_space<hbm>> -> memref<40x128xf32, #tpu.memory_space<hbm>>
    %dma_wait3A_77 = arith.constant 0 : i32
    %dma_wait3A_78 = tpu.memref_slice %arg4[%add3A_71, %dma_wait3A_77] : memref<160000x128xf32, #tpu.memory_space<hbm>> -> memref<40x128xf32, #tpu.memory_space<hbm>>
    %dma_wait3A_79 = arith.constant 0 : i32
    %dma_wait3A_80 = arith.constant 0 : i32
    %dma_wait3A_81 = tpu.memref_slice %arg6[%dma_wait3A_79, %dma_wait3A_80] : memref<200x128xf32, #tpu.memory_space<vmem>> -> memref<40x128xf32, #tpu.memory_space<vmem>>
    tpu.wait_dma2 semaphore(%arg8 : memref<!tpu.dma_semaphore, #tpu.memory_space<semaphore_mem>>) src(%dma_wait3A_81 : memref<40x128xf32, #tpu.memory_space<vmem>>) dst(%dma_wait3A_78 : memref<40x128xf32, #tpu.memory_space<hbm>>)
    %add3A_82 = arith.constant 0 : i32
    %add3A_83 = arith.addi %mul3A_2, %add3A_82 : i32
    %dma_wait3A_84 = arith.constant 0 : i32
    %dma_wait3A_85 = arith.constant 0 : i32
    %dma_wait3A_86 = tpu.memref_slice %arg6[%dma_wait3A_84, %dma_wait3A_85] : memref<200x128xf32, #tpu.memory_space<vmem>> -> memref<40x128xf32, #tpu.memory_space<vmem>>
    %dma_wait3A_87 = arith.constant 0 : i32
    %dma_wait3A_88 = tpu.memref_slice %arg4[%add3A_83, %dma_wait3A_87] : memref<160000x128xf32, #tpu.memory_space<hbm>> -> memref<40x128xf32, #tpu.memory_space<hbm>>
    %dma_wait3A_89 = arith.constant 0 : i32
    %dma_wait3A_90 = tpu.memref_slice %arg4[%add3A_83, %dma_wait3A_89] : memref<160000x128xf32, #tpu.memory_space<hbm>> -> memref<40x128xf32, #tpu.memory_space<hbm>>
    %dma_wait3A_91 = arith.constant 0 : i32
    %dma_wait3A_92 = arith.constant 0 : i32
    %dma_wait3A_93 = tpu.memref_slice %arg6[%dma_wait3A_91, %dma_wait3A_92] : memref<200x128xf32, #tpu.memory_space<vmem>> -> memref<40x128xf32, #tpu.memory_space<vmem>>
    tpu.wait_dma2 semaphore(%arg8 : memref<!tpu.dma_semaphore, #tpu.memory_space<semaphore_mem>>) src(%dma_wait3A_93 : memref<40x128xf32, #tpu.memory_space<vmem>>) dst(%dma_wait3A_90 : memref<40x128xf32, #tpu.memory_space<hbm>>)
    %add3A_94 = arith.constant 0 : i32
    %add3A_95 = arith.addi %mul3A_2, %add3A_94 : i32
    %dma_wait3A_96 = arith.constant 0 : i32
    %dma_wait3A_97 = arith.constant 0 : i32
    %dma_wait3A_98 = tpu.memref_slice %arg6[%dma_wait3A_96, %dma_wait3A_97] : memref<200x128xf32, #tpu.memory_space<vmem>> -> memref<40x128xf32, #tpu.memory_space<vmem>>
    %dma_wait3A_99 = arith.constant 0 : i32
    %dma_wait3A_100 = tpu.memref_slice %arg4[%add3A_95, %dma_wait3A_99] : memref<160000x128xf32, #tpu.memory_space<hbm>> -> memref<40x128xf32, #tpu.memory_space<hbm>>
    %dma_wait3A_101 = arith.constant 0 : i32
    %dma_wait3A_102 = tpu.memref_slice %arg4[%add3A_95, %dma_wait3A_101] : memref<160000x128xf32, #tpu.memory_space<hbm>> -> memref<40x128xf32, #tpu.memory_space<hbm>>
    %dma_wait3A_103 = arith.constant 0 : i32
    %dma_wait3A_104 = arith.constant 0 : i32
    %dma_wait3A_105 = tpu.memref_slice %arg6[%dma_wait3A_103, %dma_wait3A_104] : memref<200x128xf32, #tpu.memory_space<vmem>> -> memref<40x128xf32, #tpu.memory_space<vmem>>
    tpu.wait_dma2 semaphore(%arg8 : memref<!tpu.dma_semaphore, #tpu.memory_space<semaphore_mem>>) src(%dma_wait3A_105 : memref<40x128xf32, #tpu.memory_space<vmem>>) dst(%dma_wait3A_102 : memref<40x128xf32, #tpu.memory_space<hbm>>)
    return
  }
}

#map = affine_map<(d0, d1) -> (0, 0)>
#map1 = affine_map<(d0, d1) -> (0, 0, 0)>
module attributes {stable_mosaic.version = 14 : i64} {
  func.func @scatter_k(%arg0: i32, %arg1: i32, %arg2: memref<160000x128xf32, #tpu.memory_space<hbm>>, %arg3: memref<32x125x40xi32, #tpu.memory_space<hbm>>, %arg4: memref<2x10112x128xf32, #tpu.memory_space<hbm>>, %arg5: memref<2x10112x128xf32, #tpu.memory_space<hbm>>, %arg6: memref<125x40xi32, #tpu.memory_space<vmem>>, %arg7: memref<80x128xf32, #tpu.memory_space<vmem>>, %arg8: memref<10112x128xf32, #tpu.memory_space<vmem_shared>>, %arg9: memref<!tpu.dma_semaphore, #tpu.memory_space<semaphore_mem>>, %arg10: memref<!tpu.dma_semaphore, #tpu.memory_space<semaphore_mem>>) attributes {dimension_semantics = [#tpu.dimension_semantics<core_parallel>, #tpu.dimension_semantics<subcore_parallel>], iteration_bounds = array<i64: 2, 16>, scalar_prefetch = 0 : i64, scratch_operands = 5 : i64, tpu.core_type = #tpu.core_type<sc_vector_subcore>, window_params = [{transform_indices = #map}, {transform_indices = #map1}, {transform_indices = #map1}, {transform_indices = #map1}]} {
    %mul3A = arith.constant 2 : i32
    %mul3A_0 = arith.muli %arg1, %mul3A : i32
    %add3A = arith.addi %mul3A_0, %arg0 : i32
    %mul3A_1 = arith.constant 632 : i32
    %mul3A_2 = arith.muli %arg1, %mul3A_1 : i32
    "tpu.region"() ({
      %run_scoped3A = tpu.sem_alloc : memref<!tpu.dma_semaphore, #tpu.memory_space<semaphore_mem>>
      %dma_start3A_41 = arith.constant 0 : i32
      %dma_start3A_42 = tpu.memref_slice %arg8[%mul3A_2, %dma_start3A_41] : memref<10112x128xf32, #tpu.memory_space<vmem_shared>> -> memref<632x128xf32, #tpu.memory_space<vmem_shared>>
      %dma_start3A_43 = arith.constant 0 : i32
      %dma_start3A_44 = arith.constant 0 : i32
      %dma_start3A_45 = tpu.memref_slice %arg4[%arg0, %dma_start3A_43, %dma_start3A_44] : memref<2x10112x128xf32, #tpu.memory_space<hbm>> -> memref<1x10112x128xf32, #tpu.memory_space<hbm>>
      %dma_start3A_46 = tpu.memref_squeeze %dma_start3A_45 : memref<1x10112x128xf32, #tpu.memory_space<hbm>> -> memref<10112x128xf32, #tpu.memory_space<hbm>>
      %dma_start3A_47 = arith.constant 0 : i32
      %dma_start3A_48 = tpu.memref_slice %dma_start3A_46[%mul3A_2, %dma_start3A_47] : memref<10112x128xf32, #tpu.memory_space<hbm>> -> memref<632x128xf32, #tpu.memory_space<hbm>>
      tpu.enqueue_dma source(%dma_start3A_48 : memref<632x128xf32, #tpu.memory_space<hbm>>) target(%dma_start3A_42 : memref<632x128xf32, #tpu.memory_space<vmem_shared>>) target_semaphore(%run_scoped3A : memref<!tpu.dma_semaphore, #tpu.memory_space<semaphore_mem>>)
      %dma_wait3A_49 = arith.constant 0 : i32
      %dma_wait3A_50 = tpu.memref_slice %arg8[%mul3A_2, %dma_wait3A_49] : memref<10112x128xf32, #tpu.memory_space<vmem_shared>> -> memref<632x128xf32, #tpu.memory_space<vmem_shared>>
      %dma_wait3A_51 = arith.constant 0 : i32
      %dma_wait3A_52 = arith.constant 0 : i32
      %dma_wait3A_53 = tpu.memref_slice %arg4[%arg0, %dma_wait3A_51, %dma_wait3A_52] : memref<2x10112x128xf32, #tpu.memory_space<hbm>> -> memref<1x10112x128xf32, #tpu.memory_space<hbm>>
      %dma_wait3A_54 = tpu.memref_squeeze %dma_wait3A_53 : memref<1x10112x128xf32, #tpu.memory_space<hbm>> -> memref<10112x128xf32, #tpu.memory_space<hbm>>
      %dma_wait3A_55 = arith.constant 0 : i32
      %dma_wait3A_56 = tpu.memref_slice %dma_wait3A_54[%mul3A_2, %dma_wait3A_55] : memref<10112x128xf32, #tpu.memory_space<hbm>> -> memref<632x128xf32, #tpu.memory_space<hbm>>
      tpu.wait_dma2 semaphore(%run_scoped3A : memref<!tpu.dma_semaphore, #tpu.memory_space<semaphore_mem>>) src(%dma_wait3A_56 : memref<632x128xf32, #tpu.memory_space<hbm>>) dst(%dma_wait3A_50 : memref<632x128xf32, #tpu.memory_space<vmem_shared>>)
      tpu.yield
    }) : () -> ()
    "tpu.region"() ({
      %run_scoped3A = tpu.sem_alloc : memref<!tpu.dma_semaphore, #tpu.memory_space<semaphore_mem>>
      %dma_start3A_41 = arith.constant 0 : i32
      %dma_start3A_42 = arith.constant 0 : i32
      %dma_start3A_43 = tpu.memref_slice %arg3[%add3A, %dma_start3A_41, %dma_start3A_42] : memref<32x125x40xi32, #tpu.memory_space<hbm>> -> memref<1x125x40xi32, #tpu.memory_space<hbm>>
      %dma_start3A_44 = tpu.memref_squeeze %dma_start3A_43 : memref<1x125x40xi32, #tpu.memory_space<hbm>> -> memref<125x40xi32, #tpu.memory_space<hbm>>
      %dma_start3A_45 = arith.constant 0 : i32
      %dma_start3A_46 = arith.constant 0 : i32
      %dma_start3A_47 = tpu.memref_slice %arg3[%add3A, %dma_start3A_45, %dma_start3A_46] : memref<32x125x40xi32, #tpu.memory_space<hbm>> -> memref<1x125x40xi32, #tpu.memory_space<hbm>>
      %dma_start3A_48 = tpu.memref_squeeze %dma_start3A_47 : memref<1x125x40xi32, #tpu.memory_space<hbm>> -> memref<125x40xi32, #tpu.memory_space<hbm>>
      tpu.enqueue_dma source(%dma_start3A_48 : memref<125x40xi32, #tpu.memory_space<hbm>>) target(%arg6 : memref<125x40xi32, #tpu.memory_space<vmem>>) target_semaphore(%run_scoped3A : memref<!tpu.dma_semaphore, #tpu.memory_space<semaphore_mem>>)
      %dma_wait3A_49 = arith.constant 0 : i32
      %dma_wait3A_50 = arith.constant 0 : i32
      %dma_wait3A_51 = tpu.memref_slice %arg3[%add3A, %dma_wait3A_49, %dma_wait3A_50] : memref<32x125x40xi32, #tpu.memory_space<hbm>> -> memref<1x125x40xi32, #tpu.memory_space<hbm>>
      %dma_wait3A_52 = tpu.memref_squeeze %dma_wait3A_51 : memref<1x125x40xi32, #tpu.memory_space<hbm>> -> memref<125x40xi32, #tpu.memory_space<hbm>>
      %dma_wait3A_53 = arith.constant 0 : i32
      %dma_wait3A_54 = arith.constant 0 : i32
      %dma_wait3A_55 = tpu.memref_slice %arg3[%add3A, %dma_wait3A_53, %dma_wait3A_54] : memref<32x125x40xi32, #tpu.memory_space<hbm>> -> memref<1x125x40xi32, #tpu.memory_space<hbm>>
      %dma_wait3A_56 = tpu.memref_squeeze %dma_wait3A_55 : memref<1x125x40xi32, #tpu.memory_space<hbm>> -> memref<125x40xi32, #tpu.memory_space<hbm>>
      tpu.wait_dma2 semaphore(%run_scoped3A : memref<!tpu.dma_semaphore, #tpu.memory_space<semaphore_mem>>) src(%dma_wait3A_56 : memref<125x40xi32, #tpu.memory_space<hbm>>) dst(%arg6 : memref<125x40xi32, #tpu.memory_space<vmem>>)
      tpu.yield
    }) : () -> ()
    %barrier3A = arith.constant 0 : index
    tpu.barrier barrier_id(%barrier3A)
    %mul3A_3 = arith.constant 5000 : i32
    %mul3A_4 = arith.muli %add3A, %mul3A_3 : i32
    %add3A_5 = arith.constant 0 : i32
    %add3A_6 = arith.addi %mul3A_4, %add3A_5 : i32
    %dma_start3A = arith.constant 0 : i32
    %dma_start3A_7 = arith.constant 0 : i32
    %dma_start3A_8 = tpu.memref_slice %arg7[%dma_start3A, %dma_start3A_7] : memref<80x128xf32, #tpu.memory_space<vmem>> -> memref<40x128xf32, #tpu.memory_space<vmem>>
    %dma_start3A_9 = arith.constant 0 : i32
    %dma_start3A_10 = tpu.memref_slice %arg2[%add3A_6, %dma_start3A_9] : memref<160000x128xf32, #tpu.memory_space<hbm>> -> memref<40x128xf32, #tpu.memory_space<hbm>>
    %dma_start3A_11 = arith.constant 0 : i32
    %dma_start3A_12 = arith.constant 0 : i32
    %dma_start3A_13 = tpu.memref_slice %arg7[%dma_start3A_11, %dma_start3A_12] : memref<80x128xf32, #tpu.memory_space<vmem>> -> memref<40x128xf32, #tpu.memory_space<vmem>>
    %dma_start3A_14 = arith.constant 0 : i32
    %dma_start3A_15 = tpu.memref_slice %arg2[%add3A_6, %dma_start3A_14] : memref<160000x128xf32, #tpu.memory_space<hbm>> -> memref<40x128xf32, #tpu.memory_space<hbm>>
    tpu.enqueue_dma source(%dma_start3A_15 : memref<40x128xf32, #tpu.memory_space<hbm>>) target(%dma_start3A_13 : memref<40x128xf32, #tpu.memory_space<vmem>>) target_semaphore(%arg9 : memref<!tpu.dma_semaphore, #tpu.memory_space<semaphore_mem>>)
    %scan3A = arith.constant 0 : i32
    %scan3A_16 = arith.constant 0 : i32
    %scan3A_17 = arith.constant 125 : i32
    %scan3A_18 = arith.addi %scan3A_16, %scan3A_17 : i32
    %scan3A_19 = arith.constant 1 : i32
    scf.for %scan3A_41 = %scan3A_16 to %scan3A_18 step %scan3A_19  : i32 {
      %add3A_42 = arith.constant 0 : i32
      %add3A_43 = arith.addi %mul3A_4, %add3A_42 : i32
      %jit3A = arith.constant 2 : i32
      %eq3A = arith.constant 0 : i32
      %eq3A_44 = arith.cmpi eq, %jit3A, %eq3A : i32
      %jit3A_45 = arith.constant 1 : i32
      %select_n3A = arith.select %eq3A_44, %jit3A_45, %jit3A : i32
      %rem3A = arith.remsi %scan3A_41, %select_n3A : i32
      %ne3A = arith.constant 0 : i32
      %ne3A_46 = arith.cmpi ne, %rem3A, %ne3A : i32
      %lt3A = arith.constant 0 : i32
      %lt3A_47 = arith.cmpi slt, %rem3A, %lt3A : i32
      %lt3A_48 = arith.constant 0 : i32
      %lt3A_49 = arith.cmpi slt, %select_n3A, %lt3A_48 : i32
      %ne3A_50 = arith.xori %lt3A_47, %lt3A_49 : i1
      %and3A = arith.andi %ne3A_50, %ne3A_46 : i1
      %add3A_51 = arith.addi %rem3A, %select_n3A : i32
      %select_n3A_52 = arith.select %and3A, %add3A_51, %rem3A : i32
      %mul3A_53 = arith.constant 40 : i32
      %mul3A_54 = arith.muli %select_n3A_52, %mul3A_53 : i32
      %dma_wait3A_55 = arith.constant 0 : i32
      %dma_wait3A_56 = tpu.memref_slice %arg7[%mul3A_54, %dma_wait3A_55] : memref<80x128xf32, #tpu.memory_space<vmem>> -> memref<40x128xf32, #tpu.memory_space<vmem>>
      %dma_wait3A_57 = arith.constant 0 : i32
      %dma_wait3A_58 = tpu.memref_slice %arg2[%add3A_43, %dma_wait3A_57] : memref<160000x128xf32, #tpu.memory_space<hbm>> -> memref<40x128xf32, #tpu.memory_space<hbm>>
      %dma_wait3A_59 = arith.constant 0 : i32
      %dma_wait3A_60 = tpu.memref_slice %arg7[%mul3A_54, %dma_wait3A_59] : memref<80x128xf32, #tpu.memory_space<vmem>> -> memref<40x128xf32, #tpu.memory_space<vmem>>
      %dma_wait3A_61 = arith.constant 0 : i32
      %dma_wait3A_62 = tpu.memref_slice %arg2[%add3A_43, %dma_wait3A_61] : memref<160000x128xf32, #tpu.memory_space<hbm>> -> memref<40x128xf32, #tpu.memory_space<hbm>>
      tpu.wait_dma2 semaphore(%arg9 : memref<!tpu.dma_semaphore, #tpu.memory_space<semaphore_mem>>) src(%dma_wait3A_62 : memref<40x128xf32, #tpu.memory_space<hbm>>) dst(%dma_wait3A_60 : memref<40x128xf32, #tpu.memory_space<vmem>>)
      %jit3A_63 = arith.constant 2 : i32
      %eq3A_64 = arith.constant 0 : i32
      %eq3A_65 = arith.cmpi eq, %jit3A_63, %eq3A_64 : i32
      %jit3A_66 = arith.constant 1 : i32
      %select_n3A_67 = arith.select %eq3A_65, %jit3A_66, %jit3A_63 : i32
      %rem3A_68 = arith.remsi %scan3A_41, %select_n3A_67 : i32
      %ne3A_69 = arith.constant 0 : i32
      %ne3A_70 = arith.cmpi ne, %rem3A_68, %ne3A_69 : i32
      %lt3A_71 = arith.constant 0 : i32
      %lt3A_72 = arith.cmpi slt, %rem3A_68, %lt3A_71 : i32
      %lt3A_73 = arith.constant 0 : i32
      %lt3A_74 = arith.cmpi slt, %select_n3A_67, %lt3A_73 : i32
      %ne3A_75 = arith.xori %lt3A_72, %lt3A_74 : i1
      %and3A_76 = arith.andi %ne3A_75, %ne3A_70 : i1
      %add3A_77 = arith.addi %rem3A_68, %select_n3A_67 : i32
      %select_n3A_78 = arith.select %and3A_76, %add3A_77, %rem3A_68 : i32
      %mul3A_79 = arith.constant 40 : i32
      %mul3A_80 = arith.muli %select_n3A_78, %mul3A_79 : i32
      %dma_start3A_81 = arith.constant 0 : i32
      %dma_start3A_82 = tpu.memref_slice %arg7[%mul3A_80, %dma_start3A_81] : memref<80x128xf32, #tpu.memory_space<vmem>> -> memref<40x128xf32, #tpu.memory_space<vmem>>
      %dma_start3A_83 = arith.constant 0 : i32
      %dma_start3A_84 = tpu.memref_slice %arg6[%scan3A_41, %dma_start3A_83] : memref<125x40xi32, #tpu.memory_space<vmem>> -> memref<1x40xi32, #tpu.memory_space<vmem>>
      %dma_start3A_85 = tpu.memref_squeeze %dma_start3A_84 : memref<1x40xi32, #tpu.memory_space<vmem>> -> memref<40xi32, #tpu.memory_space<vmem>>
      %dma_start3A_86 = arith.constant 0 : i32
      %dma_start3A_87 = arith.constant 0 : i32
      %dma_start3A_88 = tpu.memref_slice %arg8[%dma_start3A_86, %dma_start3A_87] : memref<10112x128xf32, #tpu.memory_space<vmem_shared>> -> memref<10112x128xf32, #tpu.memory_space<vmem_shared>>
      tpu.enqueue_indirect_dma source(%dma_start3A_82 : memref<40x128xf32, #tpu.memory_space<vmem>>) target(%dma_start3A_88 : memref<10112x128xf32, #tpu.memory_space<vmem_shared>>) offsets(%dma_start3A_85 : memref<40xi32, #tpu.memory_space<vmem>>) semaphore(%arg10 : memref<!tpu.dma_semaphore, #tpu.memory_space<semaphore_mem>>) {add = true}
      %add3A_89 = arith.constant 2 : i32
      %add3A_90 = arith.addi %scan3A_41, %add3A_89 : i32
      %sub3A = arith.constant 1 : i32
      %sub3A_91 = arith.subi %add3A_90, %sub3A : i32
      %ge3A = arith.constant 2 : i32
      %ge3A_92 = arith.cmpi sge, %sub3A_91, %ge3A : i32
      %lt3A_93 = arith.constant 125 : i32
      %lt3A_94 = arith.cmpi slt, %sub3A_91, %lt3A_93 : i32
      %and3A_95 = arith.andi %ge3A_92, %lt3A_94 : i1
      %convert_element_type3A = arith.extui %and3A_95 : i1 to i32
      %cond3A = arith.constant 0 : i32
      %cond3A_96 = arith.cmpi ne, %convert_element_type3A, %cond3A : i32
      scf.if %cond3A_96 {
        %dma_wait3A_102 = arith.constant 0 : i32
        %dma_wait3A_103 = arith.constant 0 : i32
        %dma_wait3A_104 = arith.constant 0 : i32
        %dma_wait3A_105 = tpu.memref_slice %arg7[%dma_wait3A_103, %dma_wait3A_104] : memref<80x128xf32, #tpu.memory_space<vmem>> -> memref<40x128xf32, #tpu.memory_space<vmem>>
        %dma_wait3A_106 = arith.constant 0 : i32
        %dma_wait3A_107 = tpu.memref_slice %arg6[%dma_wait3A_102, %dma_wait3A_106] : memref<125x40xi32, #tpu.memory_space<vmem>> -> memref<1x40xi32, #tpu.memory_space<vmem>>
        %dma_wait3A_108 = tpu.memref_squeeze %dma_wait3A_107 : memref<1x40xi32, #tpu.memory_space<vmem>> -> memref<40xi32, #tpu.memory_space<vmem>>
        %dma_wait3A_109 = arith.constant 0 : i32
        %dma_wait3A_110 = arith.constant 0 : i32
        %dma_wait3A_111 = tpu.memref_slice %arg8[%dma_wait3A_109, %dma_wait3A_110] : memref<10112x128xf32, #tpu.memory_space<vmem_shared>> -> memref<10112x128xf32, #tpu.memory_space<vmem_shared>>
        tpu.wait_indirect_dma semaphore(%arg10 : memref<!tpu.dma_semaphore, #tpu.memory_space<semaphore_mem>>) src(%dma_wait3A_105 : memref<40x128xf32, #tpu.memory_space<vmem>>) dst(%dma_wait3A_111 : memref<10112x128xf32, #tpu.memory_space<vmem_shared>>)
        %mul3A_112 = arith.constant 40 : i32
        %mul3A_113 = arith.muli %sub3A_91, %mul3A_112 : i32
        %add3A_114 = arith.addi %mul3A_4, %mul3A_113 : i32
        %jit3A_115 = arith.constant 2 : i32
        %eq3A_116 = arith.constant 0 : i32
        %eq3A_117 = arith.cmpi eq, %jit3A_115, %eq3A_116 : i32
        %jit3A_118 = arith.constant 1 : i32
        %select_n3A_119 = arith.select %eq3A_117, %jit3A_118, %jit3A_115 : i32
        %rem3A_120 = arith.remsi %sub3A_91, %select_n3A_119 : i32
        %ne3A_121 = arith.constant 0 : i32
        %ne3A_122 = arith.cmpi ne, %rem3A_120, %ne3A_121 : i32
        %lt3A_123 = arith.constant 0 : i32
        %lt3A_124 = arith.cmpi slt, %rem3A_120, %lt3A_123 : i32
        %lt3A_125 = arith.constant 0 : i32
        %lt3A_126 = arith.cmpi slt, %select_n3A_119, %lt3A_125 : i32
        %ne3A_127 = arith.xori %lt3A_124, %lt3A_126 : i1
        %and3A_128 = arith.andi %ne3A_127, %ne3A_122 : i1
        %add3A_129 = arith.addi %rem3A_120, %select_n3A_119 : i32
        %select_n3A_130 = arith.select %and3A_128, %add3A_129, %rem3A_120 : i32
        %mul3A_131 = arith.constant 40 : i32
        %mul3A_132 = arith.muli %select_n3A_130, %mul3A_131 : i32
        %dma_start3A_133 = arith.constant 0 : i32
        %dma_start3A_134 = tpu.memref_slice %arg7[%mul3A_132, %dma_start3A_133] : memref<80x128xf32, #tpu.memory_space<vmem>> -> memref<40x128xf32, #tpu.memory_space<vmem>>
        %dma_start3A_135 = arith.constant 0 : i32
        %dma_start3A_136 = tpu.memref_slice %arg2[%add3A_114, %dma_start3A_135] : memref<160000x128xf32, #tpu.memory_space<hbm>> -> memref<40x128xf32, #tpu.memory_space<hbm>>
        %dma_start3A_137 = arith.constant 0 : i32
        %dma_start3A_138 = tpu.memref_slice %arg7[%mul3A_132, %dma_start3A_137] : memref<80x128xf32, #tpu.memory_space<vmem>> -> memref<40x128xf32, #tpu.memory_space<vmem>>
        %dma_start3A_139 = arith.constant 0 : i32
        %dma_start3A_140 = tpu.memref_slice %arg2[%add3A_114, %dma_start3A_139] : memref<160000x128xf32, #tpu.memory_space<hbm>> -> memref<40x128xf32, #tpu.memory_space<hbm>>
        tpu.enqueue_dma source(%dma_start3A_140 : memref<40x128xf32, #tpu.memory_space<hbm>>) target(%dma_start3A_138 : memref<40x128xf32, #tpu.memory_space<vmem>>) target_semaphore(%arg9 : memref<!tpu.dma_semaphore, #tpu.memory_space<semaphore_mem>>)
      } else {
      }
      %eq3A_97 = arith.constant 1 : i32
      %eq3A_98 = arith.cmpi eq, %sub3A_91, %eq3A_97 : i32
      %convert_element_type3A_99 = arith.extui %eq3A_98 : i1 to i32
      %cond3A_100 = arith.constant 0 : i32
      %cond3A_101 = arith.cmpi ne, %convert_element_type3A_99, %cond3A_100 : i32
      scf.if %cond3A_101 {
        %add3A_102 = arith.constant 40 : i32
        %add3A_103 = arith.addi %mul3A_4, %add3A_102 : i32
        %dma_start3A_104 = arith.constant 40 : i32
        %dma_start3A_105 = arith.constant 0 : i32
        %dma_start3A_106 = tpu.memref_slice %arg7[%dma_start3A_104, %dma_start3A_105] : memref<80x128xf32, #tpu.memory_space<vmem>> -> memref<40x128xf32, #tpu.memory_space<vmem>>
        %dma_start3A_107 = arith.constant 0 : i32
        %dma_start3A_108 = tpu.memref_slice %arg2[%add3A_103, %dma_start3A_107] : memref<160000x128xf32, #tpu.memory_space<hbm>> -> memref<40x128xf32, #tpu.memory_space<hbm>>
        %dma_start3A_109 = arith.constant 40 : i32
        %dma_start3A_110 = arith.constant 0 : i32
        %dma_start3A_111 = tpu.memref_slice %arg7[%dma_start3A_109, %dma_start3A_110] : memref<80x128xf32, #tpu.memory_space<vmem>> -> memref<40x128xf32, #tpu.memory_space<vmem>>
        %dma_start3A_112 = arith.constant 0 : i32
        %dma_start3A_113 = tpu.memref_slice %arg2[%add3A_103, %dma_start3A_112] : memref<160000x128xf32, #tpu.memory_space<hbm>> -> memref<40x128xf32, #tpu.memory_space<hbm>>
        tpu.enqueue_dma source(%dma_start3A_113 : memref<40x128xf32, #tpu.memory_space<hbm>>) target(%dma_start3A_111 : memref<40x128xf32, #tpu.memory_space<vmem>>) target_semaphore(%arg9 : memref<!tpu.dma_semaphore, #tpu.memory_space<semaphore_mem>>)
      } else {
      }
    }
    %scan3A_20 = arith.constant 125 : i32
    %dma_wait3A = arith.constant 0 : i32
    %dma_wait3A_21 = arith.constant 0 : i32
    %dma_wait3A_22 = arith.constant 0 : i32
    %dma_wait3A_23 = tpu.memref_slice %arg7[%dma_wait3A_21, %dma_wait3A_22] : memref<80x128xf32, #tpu.memory_space<vmem>> -> memref<40x128xf32, #tpu.memory_space<vmem>>
    %dma_wait3A_24 = arith.constant 0 : i32
    %dma_wait3A_25 = tpu.memref_slice %arg6[%dma_wait3A, %dma_wait3A_24] : memref<125x40xi32, #tpu.memory_space<vmem>> -> memref<1x40xi32, #tpu.memory_space<vmem>>
    %dma_wait3A_26 = tpu.memref_squeeze %dma_wait3A_25 : memref<1x40xi32, #tpu.memory_space<vmem>> -> memref<40xi32, #tpu.memory_space<vmem>>
    %dma_wait3A_27 = arith.constant 0 : i32
    %dma_wait3A_28 = arith.constant 0 : i32
    %dma_wait3A_29 = tpu.memref_slice %arg8[%dma_wait3A_27, %dma_wait3A_28] : memref<10112x128xf32, #tpu.memory_space<vmem_shared>> -> memref<10112x128xf32, #tpu.memory_space<vmem_shared>>
    tpu.wait_indirect_dma semaphore(%arg10 : memref<!tpu.dma_semaphore, #tpu.memory_space<semaphore_mem>>) src(%dma_wait3A_23 : memref<40x128xf32, #tpu.memory_space<vmem>>) dst(%dma_wait3A_29 : memref<10112x128xf32, #tpu.memory_space<vmem_shared>>)
    %dma_wait3A_30 = arith.constant 0 : i32
    %dma_wait3A_31 = arith.constant 0 : i32
    %dma_wait3A_32 = arith.constant 0 : i32
    %dma_wait3A_33 = tpu.memref_slice %arg7[%dma_wait3A_31, %dma_wait3A_32] : memref<80x128xf32, #tpu.memory_space<vmem>> -> memref<40x128xf32, #tpu.memory_space<vmem>>
    %dma_wait3A_34 = arith.constant 0 : i32
    %dma_wait3A_35 = tpu.memref_slice %arg6[%dma_wait3A_30, %dma_wait3A_34] : memref<125x40xi32, #tpu.memory_space<vmem>> -> memref<1x40xi32, #tpu.memory_space<vmem>>
    %dma_wait3A_36 = tpu.memref_squeeze %dma_wait3A_35 : memref<1x40xi32, #tpu.memory_space<vmem>> -> memref<40xi32, #tpu.memory_space<vmem>>
    %dma_wait3A_37 = arith.constant 0 : i32
    %dma_wait3A_38 = arith.constant 0 : i32
    %dma_wait3A_39 = tpu.memref_slice %arg8[%dma_wait3A_37, %dma_wait3A_38] : memref<10112x128xf32, #tpu.memory_space<vmem_shared>> -> memref<10112x128xf32, #tpu.memory_space<vmem_shared>>
    tpu.wait_indirect_dma semaphore(%arg10 : memref<!tpu.dma_semaphore, #tpu.memory_space<semaphore_mem>>) src(%dma_wait3A_33 : memref<40x128xf32, #tpu.memory_space<vmem>>) dst(%dma_wait3A_39 : memref<10112x128xf32, #tpu.memory_space<vmem_shared>>)
    %barrier3A_40 = arith.constant 0 : index
    tpu.barrier barrier_id(%barrier3A_40)
    "tpu.region"() ({
      %run_scoped3A = tpu.sem_alloc : memref<!tpu.dma_semaphore, #tpu.memory_space<semaphore_mem>>
      %dma_start3A_41 = arith.constant 0 : i32
      %dma_start3A_42 = arith.constant 0 : i32
      %dma_start3A_43 = tpu.memref_slice %arg5[%arg0, %dma_start3A_41, %dma_start3A_42] : memref<2x10112x128xf32, #tpu.memory_space<hbm>> -> memref<1x10112x128xf32, #tpu.memory_space<hbm>>
      %dma_start3A_44 = tpu.memref_squeeze %dma_start3A_43 : memref<1x10112x128xf32, #tpu.memory_space<hbm>> -> memref<10112x128xf32, #tpu.memory_space<hbm>>
      %dma_start3A_45 = arith.constant 0 : i32
      %dma_start3A_46 = tpu.memref_slice %dma_start3A_44[%mul3A_2, %dma_start3A_45] : memref<10112x128xf32, #tpu.memory_space<hbm>> -> memref<632x128xf32, #tpu.memory_space<hbm>>
      %dma_start3A_47 = arith.constant 0 : i32
      %dma_start3A_48 = tpu.memref_slice %arg8[%mul3A_2, %dma_start3A_47] : memref<10112x128xf32, #tpu.memory_space<vmem_shared>> -> memref<632x128xf32, #tpu.memory_space<vmem_shared>>
      tpu.enqueue_dma source(%dma_start3A_48 : memref<632x128xf32, #tpu.memory_space<vmem_shared>>) target(%dma_start3A_46 : memref<632x128xf32, #tpu.memory_space<hbm>>) target_semaphore(%run_scoped3A : memref<!tpu.dma_semaphore, #tpu.memory_space<semaphore_mem>>)
      %dma_wait3A_49 = arith.constant 0 : i32
      %dma_wait3A_50 = arith.constant 0 : i32
      %dma_wait3A_51 = tpu.memref_slice %arg5[%arg0, %dma_wait3A_49, %dma_wait3A_50] : memref<2x10112x128xf32, #tpu.memory_space<hbm>> -> memref<1x10112x128xf32, #tpu.memory_space<hbm>>
      %dma_wait3A_52 = tpu.memref_squeeze %dma_wait3A_51 : memref<1x10112x128xf32, #tpu.memory_space<hbm>> -> memref<10112x128xf32, #tpu.memory_space<hbm>>
      %dma_wait3A_53 = arith.constant 0 : i32
      %dma_wait3A_54 = tpu.memref_slice %dma_wait3A_52[%mul3A_2, %dma_wait3A_53] : memref<10112x128xf32, #tpu.memory_space<hbm>> -> memref<632x128xf32, #tpu.memory_space<hbm>>
      %dma_wait3A_55 = arith.constant 0 : i32
      %dma_wait3A_56 = tpu.memref_slice %arg8[%mul3A_2, %dma_wait3A_55] : memref<10112x128xf32, #tpu.memory_space<vmem_shared>> -> memref<632x128xf32, #tpu.memory_space<vmem_shared>>
      tpu.wait_dma2 semaphore(%run_scoped3A : memref<!tpu.dma_semaphore, #tpu.memory_space<semaphore_mem>>) src(%dma_wait3A_56 : memref<632x128xf32, #tpu.memory_space<vmem_shared>>) dst(%dma_wait3A_54 : memref<632x128xf32, #tpu.memory_space<hbm>>)
      tpu.yield
    }) : () -> ()
    return
  }
}

#map = affine_map<(d0, d1) -> (0, 0)>
#map1 = affine_map<(d0, d1) -> (0, 0, 0)>
module attributes {stable_mosaic.version = 14 : i64} {
  func.func @scatter_k(%arg0: i32, %arg1: i32, %arg2: memref<160000x128xf32, #tpu.memory_space<hbm>>, %arg3: memref<32x125x40xi32, #tpu.memory_space<hbm>>, %arg4: memref<2x10112x128xf32, #tpu.memory_space<hbm>>, %arg5: memref<2x10112x128xf32, #tpu.memory_space<hbm>>, %arg6: memref<125x40xi32, #tpu.memory_space<vmem>>, %arg7: memref<80x128xf32, #tpu.memory_space<vmem>>, %arg8: memref<10112x128xf32, #tpu.memory_space<vmem_shared>>, %arg9: memref<!tpu.dma_semaphore, #tpu.memory_space<semaphore_mem>>, %arg10: memref<!tpu.dma_semaphore, #tpu.memory_space<semaphore_mem>>) attributes {dimension_semantics = [#tpu.dimension_semantics<core_parallel>, #tpu.dimension_semantics<subcore_parallel>], iteration_bounds = array<i64: 2, 16>, scalar_prefetch = 0 : i64, scratch_operands = 5 : i64, tpu.core_type = #tpu.core_type<sc_vector_subcore>, window_params = [{transform_indices = #map}, {transform_indices = #map1}, {transform_indices = #map1}, {transform_indices = #map1}]} {
    %mul3A = arith.constant 2 : i32
    %mul3A_0 = arith.muli %arg1, %mul3A : i32
    %add3A = arith.addi %mul3A_0, %arg0 : i32
    %mul3A_1 = arith.constant 632 : i32
    %mul3A_2 = arith.muli %arg1, %mul3A_1 : i32
    "tpu.region"() ({
      %run_scoped3A = tpu.sem_alloc : memref<!tpu.dma_semaphore, #tpu.memory_space<semaphore_mem>>
      %dma_start3A_41 = arith.constant 0 : i32
      %dma_start3A_42 = tpu.memref_slice %arg8[%mul3A_2, %dma_start3A_41] : memref<10112x128xf32, #tpu.memory_space<vmem_shared>> -> memref<632x128xf32, #tpu.memory_space<vmem_shared>>
      %dma_start3A_43 = arith.constant 0 : i32
      %dma_start3A_44 = arith.constant 0 : i32
      %dma_start3A_45 = tpu.memref_slice %arg4[%arg0, %dma_start3A_43, %dma_start3A_44] : memref<2x10112x128xf32, #tpu.memory_space<hbm>> -> memref<1x10112x128xf32, #tpu.memory_space<hbm>>
      %dma_start3A_46 = tpu.memref_squeeze %dma_start3A_45 : memref<1x10112x128xf32, #tpu.memory_space<hbm>> -> memref<10112x128xf32, #tpu.memory_space<hbm>>
      %dma_start3A_47 = arith.constant 0 : i32
      %dma_start3A_48 = tpu.memref_slice %dma_start3A_46[%mul3A_2, %dma_start3A_47] : memref<10112x128xf32, #tpu.memory_space<hbm>> -> memref<632x128xf32, #tpu.memory_space<hbm>>
      tpu.enqueue_dma source(%dma_start3A_48 : memref<632x128xf32, #tpu.memory_space<hbm>>) target(%dma_start3A_42 : memref<632x128xf32, #tpu.memory_space<vmem_shared>>) target_semaphore(%run_scoped3A : memref<!tpu.dma_semaphore, #tpu.memory_space<semaphore_mem>>)
      %dma_wait3A_49 = arith.constant 0 : i32
      %dma_wait3A_50 = tpu.memref_slice %arg8[%mul3A_2, %dma_wait3A_49] : memref<10112x128xf32, #tpu.memory_space<vmem_shared>> -> memref<632x128xf32, #tpu.memory_space<vmem_shared>>
      %dma_wait3A_51 = arith.constant 0 : i32
      %dma_wait3A_52 = arith.constant 0 : i32
      %dma_wait3A_53 = tpu.memref_slice %arg4[%arg0, %dma_wait3A_51, %dma_wait3A_52] : memref<2x10112x128xf32, #tpu.memory_space<hbm>> -> memref<1x10112x128xf32, #tpu.memory_space<hbm>>
      %dma_wait3A_54 = tpu.memref_squeeze %dma_wait3A_53 : memref<1x10112x128xf32, #tpu.memory_space<hbm>> -> memref<10112x128xf32, #tpu.memory_space<hbm>>
      %dma_wait3A_55 = arith.constant 0 : i32
      %dma_wait3A_56 = tpu.memref_slice %dma_wait3A_54[%mul3A_2, %dma_wait3A_55] : memref<10112x128xf32, #tpu.memory_space<hbm>> -> memref<632x128xf32, #tpu.memory_space<hbm>>
      tpu.wait_dma2 semaphore(%run_scoped3A : memref<!tpu.dma_semaphore, #tpu.memory_space<semaphore_mem>>) src(%dma_wait3A_56 : memref<632x128xf32, #tpu.memory_space<hbm>>) dst(%dma_wait3A_50 : memref<632x128xf32, #tpu.memory_space<vmem_shared>>)
      tpu.yield
    }) : () -> ()
    "tpu.region"() ({
      %run_scoped3A = tpu.sem_alloc : memref<!tpu.dma_semaphore, #tpu.memory_space<semaphore_mem>>
      %dma_start3A_41 = arith.constant 0 : i32
      %dma_start3A_42 = arith.constant 0 : i32
      %dma_start3A_43 = tpu.memref_slice %arg3[%add3A, %dma_start3A_41, %dma_start3A_42] : memref<32x125x40xi32, #tpu.memory_space<hbm>> -> memref<1x125x40xi32, #tpu.memory_space<hbm>>
      %dma_start3A_44 = tpu.memref_squeeze %dma_start3A_43 : memref<1x125x40xi32, #tpu.memory_space<hbm>> -> memref<125x40xi32, #tpu.memory_space<hbm>>
      %dma_start3A_45 = arith.constant 0 : i32
      %dma_start3A_46 = arith.constant 0 : i32
      %dma_start3A_47 = tpu.memref_slice %arg3[%add3A, %dma_start3A_45, %dma_start3A_46] : memref<32x125x40xi32, #tpu.memory_space<hbm>> -> memref<1x125x40xi32, #tpu.memory_space<hbm>>
      %dma_start3A_48 = tpu.memref_squeeze %dma_start3A_47 : memref<1x125x40xi32, #tpu.memory_space<hbm>> -> memref<125x40xi32, #tpu.memory_space<hbm>>
      tpu.enqueue_dma source(%dma_start3A_48 : memref<125x40xi32, #tpu.memory_space<hbm>>) target(%arg6 : memref<125x40xi32, #tpu.memory_space<vmem>>) target_semaphore(%run_scoped3A : memref<!tpu.dma_semaphore, #tpu.memory_space<semaphore_mem>>)
      %dma_wait3A_49 = arith.constant 0 : i32
      %dma_wait3A_50 = arith.constant 0 : i32
      %dma_wait3A_51 = tpu.memref_slice %arg3[%add3A, %dma_wait3A_49, %dma_wait3A_50] : memref<32x125x40xi32, #tpu.memory_space<hbm>> -> memref<1x125x40xi32, #tpu.memory_space<hbm>>
      %dma_wait3A_52 = tpu.memref_squeeze %dma_wait3A_51 : memref<1x125x40xi32, #tpu.memory_space<hbm>> -> memref<125x40xi32, #tpu.memory_space<hbm>>
      %dma_wait3A_53 = arith.constant 0 : i32
      %dma_wait3A_54 = arith.constant 0 : i32
      %dma_wait3A_55 = tpu.memref_slice %arg3[%add3A, %dma_wait3A_53, %dma_wait3A_54] : memref<32x125x40xi32, #tpu.memory_space<hbm>> -> memref<1x125x40xi32, #tpu.memory_space<hbm>>
      %dma_wait3A_56 = tpu.memref_squeeze %dma_wait3A_55 : memref<1x125x40xi32, #tpu.memory_space<hbm>> -> memref<125x40xi32, #tpu.memory_space<hbm>>
      tpu.wait_dma2 semaphore(%run_scoped3A : memref<!tpu.dma_semaphore, #tpu.memory_space<semaphore_mem>>) src(%dma_wait3A_56 : memref<125x40xi32, #tpu.memory_space<hbm>>) dst(%arg6 : memref<125x40xi32, #tpu.memory_space<vmem>>)
      tpu.yield
    }) : () -> ()
    %barrier3A = arith.constant 0 : index
    tpu.barrier barrier_id(%barrier3A)
    %mul3A_3 = arith.constant 5000 : i32
    %mul3A_4 = arith.muli %add3A, %mul3A_3 : i32
    %add3A_5 = arith.constant 0 : i32
    %add3A_6 = arith.addi %mul3A_4, %add3A_5 : i32
    %dma_start3A = arith.constant 0 : i32
    %dma_start3A_7 = arith.constant 0 : i32
    %dma_start3A_8 = tpu.memref_slice %arg7[%dma_start3A, %dma_start3A_7] : memref<80x128xf32, #tpu.memory_space<vmem>> -> memref<40x128xf32, #tpu.memory_space<vmem>>
    %dma_start3A_9 = arith.constant 0 : i32
    %dma_start3A_10 = tpu.memref_slice %arg2[%add3A_6, %dma_start3A_9] : memref<160000x128xf32, #tpu.memory_space<hbm>> -> memref<40x128xf32, #tpu.memory_space<hbm>>
    %dma_start3A_11 = arith.constant 0 : i32
    %dma_start3A_12 = arith.constant 0 : i32
    %dma_start3A_13 = tpu.memref_slice %arg7[%dma_start3A_11, %dma_start3A_12] : memref<80x128xf32, #tpu.memory_space<vmem>> -> memref<40x128xf32, #tpu.memory_space<vmem>>
    %dma_start3A_14 = arith.constant 0 : i32
    %dma_start3A_15 = tpu.memref_slice %arg2[%add3A_6, %dma_start3A_14] : memref<160000x128xf32, #tpu.memory_space<hbm>> -> memref<40x128xf32, #tpu.memory_space<hbm>>
    tpu.enqueue_dma source(%dma_start3A_15 : memref<40x128xf32, #tpu.memory_space<hbm>>) target(%dma_start3A_13 : memref<40x128xf32, #tpu.memory_space<vmem>>) target_semaphore(%arg9 : memref<!tpu.dma_semaphore, #tpu.memory_space<semaphore_mem>>)
    %scan3A = arith.constant 0 : i32
    %scan3A_16 = arith.constant 0 : i32
    %scan3A_17 = arith.constant 125 : i32
    %scan3A_18 = arith.addi %scan3A_16, %scan3A_17 : i32
    %scan3A_19 = arith.constant 1 : i32
    scf.for %scan3A_41 = %scan3A_16 to %scan3A_18 step %scan3A_19  : i32 {
      %add3A_42 = arith.constant 0 : i32
      %add3A_43 = arith.addi %mul3A_4, %add3A_42 : i32
      %jit3A = arith.constant 2 : i32
      %eq3A = arith.constant 0 : i32
      %eq3A_44 = arith.cmpi eq, %jit3A, %eq3A : i32
      %jit3A_45 = arith.constant 1 : i32
      %select_n3A = arith.select %eq3A_44, %jit3A_45, %jit3A : i32
      %rem3A = arith.remsi %scan3A_41, %select_n3A : i32
      %ne3A = arith.constant 0 : i32
      %ne3A_46 = arith.cmpi ne, %rem3A, %ne3A : i32
      %lt3A = arith.constant 0 : i32
      %lt3A_47 = arith.cmpi slt, %rem3A, %lt3A : i32
      %lt3A_48 = arith.constant 0 : i32
      %lt3A_49 = arith.cmpi slt, %select_n3A, %lt3A_48 : i32
      %ne3A_50 = arith.xori %lt3A_47, %lt3A_49 : i1
      %and3A = arith.andi %ne3A_50, %ne3A_46 : i1
      %add3A_51 = arith.addi %rem3A, %select_n3A : i32
      %select_n3A_52 = arith.select %and3A, %add3A_51, %rem3A : i32
      %mul3A_53 = arith.constant 40 : i32
      %mul3A_54 = arith.muli %select_n3A_52, %mul3A_53 : i32
      %dma_wait3A_55 = arith.constant 0 : i32
      %dma_wait3A_56 = tpu.memref_slice %arg7[%mul3A_54, %dma_wait3A_55] : memref<80x128xf32, #tpu.memory_space<vmem>> -> memref<40x128xf32, #tpu.memory_space<vmem>>
      %dma_wait3A_57 = arith.constant 0 : i32
      %dma_wait3A_58 = tpu.memref_slice %arg2[%add3A_43, %dma_wait3A_57] : memref<160000x128xf32, #tpu.memory_space<hbm>> -> memref<40x128xf32, #tpu.memory_space<hbm>>
      %dma_wait3A_59 = arith.constant 0 : i32
      %dma_wait3A_60 = tpu.memref_slice %arg7[%mul3A_54, %dma_wait3A_59] : memref<80x128xf32, #tpu.memory_space<vmem>> -> memref<40x128xf32, #tpu.memory_space<vmem>>
      %dma_wait3A_61 = arith.constant 0 : i32
      %dma_wait3A_62 = tpu.memref_slice %arg2[%add3A_43, %dma_wait3A_61] : memref<160000x128xf32, #tpu.memory_space<hbm>> -> memref<40x128xf32, #tpu.memory_space<hbm>>
      tpu.wait_dma2 semaphore(%arg9 : memref<!tpu.dma_semaphore, #tpu.memory_space<semaphore_mem>>) src(%dma_wait3A_62 : memref<40x128xf32, #tpu.memory_space<hbm>>) dst(%dma_wait3A_60 : memref<40x128xf32, #tpu.memory_space<vmem>>)
      %jit3A_63 = arith.constant 2 : i32
      %eq3A_64 = arith.constant 0 : i32
      %eq3A_65 = arith.cmpi eq, %jit3A_63, %eq3A_64 : i32
      %jit3A_66 = arith.constant 1 : i32
      %select_n3A_67 = arith.select %eq3A_65, %jit3A_66, %jit3A_63 : i32
      %rem3A_68 = arith.remsi %scan3A_41, %select_n3A_67 : i32
      %ne3A_69 = arith.constant 0 : i32
      %ne3A_70 = arith.cmpi ne, %rem3A_68, %ne3A_69 : i32
      %lt3A_71 = arith.constant 0 : i32
      %lt3A_72 = arith.cmpi slt, %rem3A_68, %lt3A_71 : i32
      %lt3A_73 = arith.constant 0 : i32
      %lt3A_74 = arith.cmpi slt, %select_n3A_67, %lt3A_73 : i32
      %ne3A_75 = arith.xori %lt3A_72, %lt3A_74 : i1
      %and3A_76 = arith.andi %ne3A_75, %ne3A_70 : i1
      %add3A_77 = arith.addi %rem3A_68, %select_n3A_67 : i32
      %select_n3A_78 = arith.select %and3A_76, %add3A_77, %rem3A_68 : i32
      %mul3A_79 = arith.constant 40 : i32
      %mul3A_80 = arith.muli %select_n3A_78, %mul3A_79 : i32
      %dma_start3A_81 = arith.constant 0 : i32
      %dma_start3A_82 = tpu.memref_slice %arg7[%mul3A_80, %dma_start3A_81] : memref<80x128xf32, #tpu.memory_space<vmem>> -> memref<40x128xf32, #tpu.memory_space<vmem>>
      %dma_start3A_83 = arith.constant 0 : i32
      %dma_start3A_84 = tpu.memref_slice %arg6[%scan3A_41, %dma_start3A_83] : memref<125x40xi32, #tpu.memory_space<vmem>> -> memref<1x40xi32, #tpu.memory_space<vmem>>
      %dma_start3A_85 = tpu.memref_squeeze %dma_start3A_84 : memref<1x40xi32, #tpu.memory_space<vmem>> -> memref<40xi32, #tpu.memory_space<vmem>>
      %dma_start3A_86 = arith.constant 0 : i32
      %dma_start3A_87 = arith.constant 0 : i32
      %dma_start3A_88 = tpu.memref_slice %arg8[%dma_start3A_86, %dma_start3A_87] : memref<10112x128xf32, #tpu.memory_space<vmem_shared>> -> memref<10112x128xf32, #tpu.memory_space<vmem_shared>>
      tpu.enqueue_indirect_dma source(%dma_start3A_82 : memref<40x128xf32, #tpu.memory_space<vmem>>) target(%dma_start3A_88 : memref<10112x128xf32, #tpu.memory_space<vmem_shared>>) offsets(%dma_start3A_85 : memref<40xi32, #tpu.memory_space<vmem>>) semaphore(%arg10 : memref<!tpu.dma_semaphore, #tpu.memory_space<semaphore_mem>>) {add = true}
      %add3A_89 = arith.constant 2 : i32
      %add3A_90 = arith.addi %scan3A_41, %add3A_89 : i32
      %sub3A = arith.constant 1 : i32
      %sub3A_91 = arith.subi %add3A_90, %sub3A : i32
      %ge3A = arith.constant 2 : i32
      %ge3A_92 = arith.cmpi sge, %sub3A_91, %ge3A : i32
      %lt3A_93 = arith.constant 125 : i32
      %lt3A_94 = arith.cmpi slt, %sub3A_91, %lt3A_93 : i32
      %and3A_95 = arith.andi %ge3A_92, %lt3A_94 : i1
      %convert_element_type3A = arith.extui %and3A_95 : i1 to i32
      %cond3A = arith.constant 0 : i32
      %cond3A_96 = arith.cmpi ne, %convert_element_type3A, %cond3A : i32
      scf.if %cond3A_96 {
        %dma_wait3A_102 = arith.constant 0 : i32
        %dma_wait3A_103 = arith.constant 0 : i32
        %dma_wait3A_104 = arith.constant 0 : i32
        %dma_wait3A_105 = tpu.memref_slice %arg7[%dma_wait3A_103, %dma_wait3A_104] : memref<80x128xf32, #tpu.memory_space<vmem>> -> memref<40x128xf32, #tpu.memory_space<vmem>>
        %dma_wait3A_106 = arith.constant 0 : i32
        %dma_wait3A_107 = tpu.memref_slice %arg6[%dma_wait3A_102, %dma_wait3A_106] : memref<125x40xi32, #tpu.memory_space<vmem>> -> memref<1x40xi32, #tpu.memory_space<vmem>>
        %dma_wait3A_108 = tpu.memref_squeeze %dma_wait3A_107 : memref<1x40xi32, #tpu.memory_space<vmem>> -> memref<40xi32, #tpu.memory_space<vmem>>
        %dma_wait3A_109 = arith.constant 0 : i32
        %dma_wait3A_110 = arith.constant 0 : i32
        %dma_wait3A_111 = tpu.memref_slice %arg8[%dma_wait3A_109, %dma_wait3A_110] : memref<10112x128xf32, #tpu.memory_space<vmem_shared>> -> memref<10112x128xf32, #tpu.memory_space<vmem_shared>>
        tpu.wait_indirect_dma semaphore(%arg10 : memref<!tpu.dma_semaphore, #tpu.memory_space<semaphore_mem>>) src(%dma_wait3A_105 : memref<40x128xf32, #tpu.memory_space<vmem>>) dst(%dma_wait3A_111 : memref<10112x128xf32, #tpu.memory_space<vmem_shared>>)
        %mul3A_112 = arith.constant 40 : i32
        %mul3A_113 = arith.muli %sub3A_91, %mul3A_112 : i32
        %add3A_114 = arith.addi %mul3A_4, %mul3A_113 : i32
        %jit3A_115 = arith.constant 2 : i32
        %eq3A_116 = arith.constant 0 : i32
        %eq3A_117 = arith.cmpi eq, %jit3A_115, %eq3A_116 : i32
        %jit3A_118 = arith.constant 1 : i32
        %select_n3A_119 = arith.select %eq3A_117, %jit3A_118, %jit3A_115 : i32
        %rem3A_120 = arith.remsi %sub3A_91, %select_n3A_119 : i32
        %ne3A_121 = arith.constant 0 : i32
        %ne3A_122 = arith.cmpi ne, %rem3A_120, %ne3A_121 : i32
        %lt3A_123 = arith.constant 0 : i32
        %lt3A_124 = arith.cmpi slt, %rem3A_120, %lt3A_123 : i32
        %lt3A_125 = arith.constant 0 : i32
        %lt3A_126 = arith.cmpi slt, %select_n3A_119, %lt3A_125 : i32
        %ne3A_127 = arith.xori %lt3A_124, %lt3A_126 : i1
        %and3A_128 = arith.andi %ne3A_127, %ne3A_122 : i1
        %add3A_129 = arith.addi %rem3A_120, %select_n3A_119 : i32
        %select_n3A_130 = arith.select %and3A_128, %add3A_129, %rem3A_120 : i32
        %mul3A_131 = arith.constant 40 : i32
        %mul3A_132 = arith.muli %select_n3A_130, %mul3A_131 : i32
        %dma_start3A_133 = arith.constant 0 : i32
        %dma_start3A_134 = tpu.memref_slice %arg7[%mul3A_132, %dma_start3A_133] : memref<80x128xf32, #tpu.memory_space<vmem>> -> memref<40x128xf32, #tpu.memory_space<vmem>>
        %dma_start3A_135 = arith.constant 0 : i32
        %dma_start3A_136 = tpu.memref_slice %arg2[%add3A_114, %dma_start3A_135] : memref<160000x128xf32, #tpu.memory_space<hbm>> -> memref<40x128xf32, #tpu.memory_space<hbm>>
        %dma_start3A_137 = arith.constant 0 : i32
        %dma_start3A_138 = tpu.memref_slice %arg7[%mul3A_132, %dma_start3A_137] : memref<80x128xf32, #tpu.memory_space<vmem>> -> memref<40x128xf32, #tpu.memory_space<vmem>>
        %dma_start3A_139 = arith.constant 0 : i32
        %dma_start3A_140 = tpu.memref_slice %arg2[%add3A_114, %dma_start3A_139] : memref<160000x128xf32, #tpu.memory_space<hbm>> -> memref<40x128xf32, #tpu.memory_space<hbm>>
        tpu.enqueue_dma source(%dma_start3A_140 : memref<40x128xf32, #tpu.memory_space<hbm>>) target(%dma_start3A_138 : memref<40x128xf32, #tpu.memory_space<vmem>>) target_semaphore(%arg9 : memref<!tpu.dma_semaphore, #tpu.memory_space<semaphore_mem>>)
      } else {
      }
      %eq3A_97 = arith.constant 1 : i32
      %eq3A_98 = arith.cmpi eq, %sub3A_91, %eq3A_97 : i32
      %convert_element_type3A_99 = arith.extui %eq3A_98 : i1 to i32
      %cond3A_100 = arith.constant 0 : i32
      %cond3A_101 = arith.cmpi ne, %convert_element_type3A_99, %cond3A_100 : i32
      scf.if %cond3A_101 {
        %add3A_102 = arith.constant 40 : i32
        %add3A_103 = arith.addi %mul3A_4, %add3A_102 : i32
        %dma_start3A_104 = arith.constant 40 : i32
        %dma_start3A_105 = arith.constant 0 : i32
        %dma_start3A_106 = tpu.memref_slice %arg7[%dma_start3A_104, %dma_start3A_105] : memref<80x128xf32, #tpu.memory_space<vmem>> -> memref<40x128xf32, #tpu.memory_space<vmem>>
        %dma_start3A_107 = arith.constant 0 : i32
        %dma_start3A_108 = tpu.memref_slice %arg2[%add3A_103, %dma_start3A_107] : memref<160000x128xf32, #tpu.memory_space<hbm>> -> memref<40x128xf32, #tpu.memory_space<hbm>>
        %dma_start3A_109 = arith.constant 40 : i32
        %dma_start3A_110 = arith.constant 0 : i32
        %dma_start3A_111 = tpu.memref_slice %arg7[%dma_start3A_109, %dma_start3A_110] : memref<80x128xf32, #tpu.memory_space<vmem>> -> memref<40x128xf32, #tpu.memory_space<vmem>>
        %dma_start3A_112 = arith.constant 0 : i32
        %dma_start3A_113 = tpu.memref_slice %arg2[%add3A_103, %dma_start3A_112] : memref<160000x128xf32, #tpu.memory_space<hbm>> -> memref<40x128xf32, #tpu.memory_space<hbm>>
        tpu.enqueue_dma source(%dma_start3A_113 : memref<40x128xf32, #tpu.memory_space<hbm>>) target(%dma_start3A_111 : memref<40x128xf32, #tpu.memory_space<vmem>>) target_semaphore(%arg9 : memref<!tpu.dma_semaphore, #tpu.memory_space<semaphore_mem>>)
      } else {
      }
    }
    %scan3A_20 = arith.constant 125 : i32
    %dma_wait3A = arith.constant 0 : i32
    %dma_wait3A_21 = arith.constant 0 : i32
    %dma_wait3A_22 = arith.constant 0 : i32
    %dma_wait3A_23 = tpu.memref_slice %arg7[%dma_wait3A_21, %dma_wait3A_22] : memref<80x128xf32, #tpu.memory_space<vmem>> -> memref<40x128xf32, #tpu.memory_space<vmem>>
    %dma_wait3A_24 = arith.constant 0 : i32
    %dma_wait3A_25 = tpu.memref_slice %arg6[%dma_wait3A, %dma_wait3A_24] : memref<125x40xi32, #tpu.memory_space<vmem>> -> memref<1x40xi32, #tpu.memory_space<vmem>>
    %dma_wait3A_26 = tpu.memref_squeeze %dma_wait3A_25 : memref<1x40xi32, #tpu.memory_space<vmem>> -> memref<40xi32, #tpu.memory_space<vmem>>
    %dma_wait3A_27 = arith.constant 0 : i32
    %dma_wait3A_28 = arith.constant 0 : i32
    %dma_wait3A_29 = tpu.memref_slice %arg8[%dma_wait3A_27, %dma_wait3A_28] : memref<10112x128xf32, #tpu.memory_space<vmem_shared>> -> memref<10112x128xf32, #tpu.memory_space<vmem_shared>>
    tpu.wait_indirect_dma semaphore(%arg10 : memref<!tpu.dma_semaphore, #tpu.memory_space<semaphore_mem>>) src(%dma_wait3A_23 : memref<40x128xf32, #tpu.memory_space<vmem>>) dst(%dma_wait3A_29 : memref<10112x128xf32, #tpu.memory_space<vmem_shared>>)
    %dma_wait3A_30 = arith.constant 0 : i32
    %dma_wait3A_31 = arith.constant 0 : i32
    %dma_wait3A_32 = arith.constant 0 : i32
    %dma_wait3A_33 = tpu.memref_slice %arg7[%dma_wait3A_31, %dma_wait3A_32] : memref<80x128xf32, #tpu.memory_space<vmem>> -> memref<40x128xf32, #tpu.memory_space<vmem>>
    %dma_wait3A_34 = arith.constant 0 : i32
    %dma_wait3A_35 = tpu.memref_slice %arg6[%dma_wait3A_30, %dma_wait3A_34] : memref<125x40xi32, #tpu.memory_space<vmem>> -> memref<1x40xi32, #tpu.memory_space<vmem>>
    %dma_wait3A_36 = tpu.memref_squeeze %dma_wait3A_35 : memref<1x40xi32, #tpu.memory_space<vmem>> -> memref<40xi32, #tpu.memory_space<vmem>>
    %dma_wait3A_37 = arith.constant 0 : i32
    %dma_wait3A_38 = arith.constant 0 : i32
    %dma_wait3A_39 = tpu.memref_slice %arg8[%dma_wait3A_37, %dma_wait3A_38] : memref<10112x128xf32, #tpu.memory_space<vmem_shared>> -> memref<10112x128xf32, #tpu.memory_space<vmem_shared>>
    tpu.wait_indirect_dma semaphore(%arg10 : memref<!tpu.dma_semaphore, #tpu.memory_space<semaphore_mem>>) src(%dma_wait3A_33 : memref<40x128xf32, #tpu.memory_space<vmem>>) dst(%dma_wait3A_39 : memref<10112x128xf32, #tpu.memory_space<vmem_shared>>)
    %barrier3A_40 = arith.constant 0 : index
    tpu.barrier barrier_id(%barrier3A_40)
    "tpu.region"() ({
      %run_scoped3A = tpu.sem_alloc : memref<!tpu.dma_semaphore, #tpu.memory_space<semaphore_mem>>
      %dma_start3A_41 = arith.constant 0 : i32
      %dma_start3A_42 = arith.constant 0 : i32
      %dma_start3A_43 = tpu.memref_slice %arg5[%arg0, %dma_start3A_41, %dma_start3A_42] : memref<2x10112x128xf32, #tpu.memory_space<hbm>> -> memref<1x10112x128xf32, #tpu.memory_space<hbm>>
      %dma_start3A_44 = tpu.memref_squeeze %dma_start3A_43 : memref<1x10112x128xf32, #tpu.memory_space<hbm>> -> memref<10112x128xf32, #tpu.memory_space<hbm>>
      %dma_start3A_45 = arith.constant 0 : i32
      %dma_start3A_46 = tpu.memref_slice %dma_start3A_44[%mul3A_2, %dma_start3A_45] : memref<10112x128xf32, #tpu.memory_space<hbm>> -> memref<632x128xf32, #tpu.memory_space<hbm>>
      %dma_start3A_47 = arith.constant 0 : i32
      %dma_start3A_48 = tpu.memref_slice %arg8[%mul3A_2, %dma_start3A_47] : memref<10112x128xf32, #tpu.memory_space<vmem_shared>> -> memref<632x128xf32, #tpu.memory_space<vmem_shared>>
      tpu.enqueue_dma source(%dma_start3A_48 : memref<632x128xf32, #tpu.memory_space<vmem_shared>>) target(%dma_start3A_46 : memref<632x128xf32, #tpu.memory_space<hbm>>) target_semaphore(%run_scoped3A : memref<!tpu.dma_semaphore, #tpu.memory_space<semaphore_mem>>)
      %dma_wait3A_49 = arith.constant 0 : i32
      %dma_wait3A_50 = arith.constant 0 : i32
      %dma_wait3A_51 = tpu.memref_slice %arg5[%arg0, %dma_wait3A_49, %dma_wait3A_50] : memref<2x10112x128xf32, #tpu.memory_space<hbm>> -> memref<1x10112x128xf32, #tpu.memory_space<hbm>>
      %dma_wait3A_52 = tpu.memref_squeeze %dma_wait3A_51 : memref<1x10112x128xf32, #tpu.memory_space<hbm>> -> memref<10112x128xf32, #tpu.memory_space<hbm>>
      %dma_wait3A_53 = arith.constant 0 : i32
      %dma_wait3A_54 = tpu.memref_slice %dma_wait3A_52[%mul3A_2, %dma_wait3A_53] : memref<10112x128xf32, #tpu.memory_space<hbm>> -> memref<632x128xf32, #tpu.memory_space<hbm>>
      %dma_wait3A_55 = arith.constant 0 : i32
      %dma_wait3A_56 = tpu.memref_slice %arg8[%mul3A_2, %dma_wait3A_55] : memref<10112x128xf32, #tpu.memory_space<vmem_shared>> -> memref<632x128xf32, #tpu.memory_space<vmem_shared>>
      tpu.wait_dma2 semaphore(%run_scoped3A : memref<!tpu.dma_semaphore, #tpu.memory_space<semaphore_mem>>) src(%dma_wait3A_56 : memref<632x128xf32, #tpu.memory_space<vmem_shared>>) dst(%dma_wait3A_54 : memref<632x128xf32, #tpu.memory_space<hbm>>)
      tpu.yield
    }) : () -> ()
    return
  }
}

module attributes {stable_mosaic.version = 14 : i64} {
  func.func @_tp_body(%arg0: i32, %arg1: memref<640x3xf32, #tpu.memory_space<vmem>>, %arg2: memref<640x128xf32, #tpu.memory_space<vmem>>, %arg3: memref<1024x128xbf16, #tpu.memory_space<vmem>>, %arg4: memref<640x128xf32, #tpu.memory_space<vmem>>) attributes {dimension_semantics = [#tpu.dimension_semantics<arbitrary>], iteration_bounds = array<i64: 250>, scalar_prefetch = 0 : i64, scratch_operands = 0 : i64, tpu.core_type = #tpu.core_type<tc>, window_params = [{transform_indices = @transform_0, window_bounds = array<i64: 640, 3>}, {transform_indices = @transform_1, window_bounds = array<i64: 640, 128>}, {pipeline_mode = #tpu.pipeline_mode<synchronous>, transform_indices = @transform_2, window_bounds = array<i64: 1024, 128>}, {transform_indices = @transform_3, window_bounds = array<i64: 640, 128>}]} {
    %get3A = arith.constant 0 : index
    %get3A_0 = arith.constant 0 : index
    %get3A_1 = vector.load %arg1[%get3A, %get3A_0] : memref<640x3xf32, #tpu.memory_space<vmem>>, vector<640x3xf32>
    %mul3A = arith.mulf %get3A_1, %get3A_1 : vector<640x3xf32>
    %reduce_sum3A = arith.constant dense<0.000000e+00> : vector<640xf32>
    %reduce_sum3A_2 = vector.multi_reduction <add>, %mul3A, %reduce_sum3A [1] : vector<640x3xf32> to vector<640xf32>
    %broadcast_in_dim3A = vector.shape_cast %reduce_sum3A_2 : vector<640xf32> to vector<640x1xf32>
    %add3A = arith.constant 9.99999996E-13 : f32
    %add3A_3 = vector.broadcast %add3A : f32 to vector<640x1xf32>
    %add3A_4 = arith.addf %broadcast_in_dim3A, %add3A_3 : vector<640x1xf32>
    %sqrt3A = math.sqrt %add3A_4 : vector<640x1xf32>
    %iota3A = tpu.iota {dimensions = array<i32: 1>} : vector<1x8xi32>
    %convert_element_type3A = arith.sitofp %iota3A : vector<1x8xi32> to vector<1x8xf32>
    %mul3A_5 = arith.constant 0.714285731 : f32
    %mul3A_6 = vector.broadcast %mul3A_5 : f32 to vector<1x8xf32>
    %mul3A_7 = arith.mulf %convert_element_type3A, %mul3A_6 : vector<1x8xf32>
    %add3A_8 = arith.constant 0.000000e+00 : f32
    %add3A_9 = vector.broadcast %add3A_8 : f32 to vector<1x8xf32>
    %add3A_10 = arith.addf %add3A_9, %mul3A_7 : vector<1x8xf32>
    %sqrt3A_11 = arith.constant 6.28318548 : f32
    %sqrt3A_12 = math.sqrt %sqrt3A_11 : f32
    %div3A = arith.constant 1.000000e+00 : f32
    %div3A_13 = arith.divf %div3A, %sqrt3A_12 : f32
    %sub3A = vector.broadcast %sqrt3A : vector<640x1xf32> to vector<640x8xf32>
    %sub3A_14 = vector.broadcast %add3A_10 : vector<1x8xf32> to vector<640x8xf32>
    %sub3A_15 = arith.subf %sub3A, %sub3A_14 : vector<640x8xf32>
    %div3A_16 = arith.constant 0.714285731 : f32
    %div3A_17 = vector.broadcast %div3A_16 : f32 to vector<640x8xf32>
    %div3A_18 = arith.divf %sub3A_15, %div3A_17 : vector<640x8xf32>
    %integer_pow3A = arith.mulf %div3A_18, %div3A_18 : vector<640x8xf32>
    %mul3A_19 = arith.constant -5.000000e-01 : f32
    %mul3A_20 = vector.broadcast %mul3A_19 : f32 to vector<640x8xf32>
    %mul3A_21 = arith.mulf %mul3A_20, %integer_pow3A : vector<640x8xf32>
    %exp3A = math.exp %mul3A_21 : vector<640x8xf32>
    %mul3A_22 = vector.broadcast %div3A_13 : f32 to vector<640x8xf32>
    %mul3A_23 = arith.mulf %mul3A_22, %exp3A : vector<640x8xf32>
    %get3A_24 = arith.constant 0 : index
    %get3A_25 = arith.constant 0 : index
    %get3A_26 = vector.load %arg2[%get3A_24, %get3A_25] : memref<640x128xf32, #tpu.memory_space<vmem>>, vector<640x128xf32>
    %convert_element_type3A_27 = arith.truncf %get3A_26 : vector<640x128xf32> to vector<640x128xbf16>
    %broadcast_in_dim3A_28 = arith.constant 0.000000e+00 : f32
    %broadcast_in_dim3A_29 = vector.broadcast %broadcast_in_dim3A_28 : f32 to vector<640x128xf32>
    %slice3A = vector.extract_strided_slice %mul3A_23 {offsets = [0, 0], sizes = [640, 1], strides = [1, 1]} : vector<640x8xf32> to vector<640x1xf32>
    %get3A_30 = arith.constant 0 : index
    %get3A_31 = arith.constant 0 : index
    %get3A_32 = vector.load %arg3[%get3A_30, %get3A_31] : memref<1024x128xbf16, #tpu.memory_space<vmem>>, vector<128x128xbf16>
    %dot_general3A = arith.constant dense<0.000000e+00> : vector<640x128xf32>
    %dot_general3A_33 = tpu.matmul %convert_element_type3A_27, %get3A_32, %dot_general3A {dimension_numbers = #tpu.dot_dimension_numbers<[1], [0], [0], [1], [0, 0, 1, 1], [], []>, transpose_lhs_hint = false} : vector<640x128xbf16>, vector<128x128xbf16>, vector<640x128xf32> -> vector<640x128xf32>
    %mul3A_34 = vector.broadcast %slice3A : vector<640x1xf32> to vector<640x128xf32>
    %mul3A_35 = arith.mulf %mul3A_34, %dot_general3A_33 : vector<640x128xf32>
    %add3A_36 = arith.addf %broadcast_in_dim3A_29, %mul3A_35 : vector<640x128xf32>
    %slice3A_37 = vector.extract_strided_slice %mul3A_23 {offsets = [0, 1], sizes = [640, 1], strides = [1, 1]} : vector<640x8xf32> to vector<640x1xf32>
    %get3A_38 = arith.constant 128 : index
    %get3A_39 = arith.constant 0 : index
    %get3A_40 = vector.load %arg3[%get3A_38, %get3A_39] : memref<1024x128xbf16, #tpu.memory_space<vmem>>, vector<128x128xbf16>
    %dot_general3A_41 = arith.constant dense<0.000000e+00> : vector<640x128xf32>
    %dot_general3A_42 = tpu.matmul %convert_element_type3A_27, %get3A_40, %dot_general3A_41 {dimension_numbers = #tpu.dot_dimension_numbers<[1], [0], [0], [1], [0, 0, 1, 1], [], []>, transpose_lhs_hint = false} : vector<640x128xbf16>, vector<128x128xbf16>, vector<640x128xf32> -> vector<640x128xf32>
    %mul3A_43 = vector.broadcast %slice3A_37 : vector<640x1xf32> to vector<640x128xf32>
    %mul3A_44 = arith.mulf %mul3A_43, %dot_general3A_42 : vector<640x128xf32>
    %add3A_45 = arith.addf %add3A_36, %mul3A_44 : vector<640x128xf32>
    %slice3A_46 = vector.extract_strided_slice %mul3A_23 {offsets = [0, 2], sizes = [640, 1], strides = [1, 1]} : vector<640x8xf32> to vector<640x1xf32>
    %get3A_47 = arith.constant 256 : index
    %get3A_48 = arith.constant 0 : index
    %get3A_49 = vector.load %arg3[%get3A_47, %get3A_48] : memref<1024x128xbf16, #tpu.memory_space<vmem>>, vector<128x128xbf16>
    %dot_general3A_50 = arith.constant dense<0.000000e+00> : vector<640x128xf32>
    %dot_general3A_51 = tpu.matmul %convert_element_type3A_27, %get3A_49, %dot_general3A_50 {dimension_numbers = #tpu.dot_dimension_numbers<[1], [0], [0], [1], [0, 0, 1, 1], [], []>, transpose_lhs_hint = false} : vector<640x128xbf16>, vector<128x128xbf16>, vector<640x128xf32> -> vector<640x128xf32>
    %mul3A_52 = vector.broadcast %slice3A_46 : vector<640x1xf32> to vector<640x128xf32>
    %mul3A_53 = arith.mulf %mul3A_52, %dot_general3A_51 : vector<640x128xf32>
    %add3A_54 = arith.addf %add3A_45, %mul3A_53 : vector<640x128xf32>
    %slice3A_55 = vector.extract_strided_slice %mul3A_23 {offsets = [0, 3], sizes = [640, 1], strides = [1, 1]} : vector<640x8xf32> to vector<640x1xf32>
    %get3A_56 = arith.constant 384 : index
    %get3A_57 = arith.constant 0 : index
    %get3A_58 = vector.load %arg3[%get3A_56, %get3A_57] : memref<1024x128xbf16, #tpu.memory_space<vmem>>, vector<128x128xbf16>
    %dot_general3A_59 = arith.constant dense<0.000000e+00> : vector<640x128xf32>
    %dot_general3A_60 = tpu.matmul %convert_element_type3A_27, %get3A_58, %dot_general3A_59 {dimension_numbers = #tpu.dot_dimension_numbers<[1], [0], [0], [1], [0, 0, 1, 1], [], []>, transpose_lhs_hint = false} : vector<640x128xbf16>, vector<128x128xbf16>, vector<640x128xf32> -> vector<640x128xf32>
    %mul3A_61 = vector.broadcast %slice3A_55 : vector<640x1xf32> to vector<640x128xf32>
    %mul3A_62 = arith.mulf %mul3A_61, %dot_general3A_60 : vector<640x128xf32>
    %add3A_63 = arith.addf %add3A_54, %mul3A_62 : vector<640x128xf32>
    %slice3A_64 = vector.extract_strided_slice %mul3A_23 {offsets = [0, 4], sizes = [640, 1], strides = [1, 1]} : vector<640x8xf32> to vector<640x1xf32>
    %get3A_65 = arith.constant 512 : index
    %get3A_66 = arith.constant 0 : index
    %get3A_67 = vector.load %arg3[%get3A_65, %get3A_66] : memref<1024x128xbf16, #tpu.memory_space<vmem>>, vector<128x128xbf16>
    %dot_general3A_68 = arith.constant dense<0.000000e+00> : vector<640x128xf32>
    %dot_general3A_69 = tpu.matmul %convert_element_type3A_27, %get3A_67, %dot_general3A_68 {dimension_numbers = #tpu.dot_dimension_numbers<[1], [0], [0], [1], [0, 0, 1, 1], [], []>, transpose_lhs_hint = false} : vector<640x128xbf16>, vector<128x128xbf16>, vector<640x128xf32> -> vector<640x128xf32>
    %mul3A_70 = vector.broadcast %slice3A_64 : vector<640x1xf32> to vector<640x128xf32>
    %mul3A_71 = arith.mulf %mul3A_70, %dot_general3A_69 : vector<640x128xf32>
    %add3A_72 = arith.addf %add3A_63, %mul3A_71 : vector<640x128xf32>
    %slice3A_73 = vector.extract_strided_slice %mul3A_23 {offsets = [0, 5], sizes = [640, 1], strides = [1, 1]} : vector<640x8xf32> to vector<640x1xf32>
    %get3A_74 = arith.constant 640 : index
    %get3A_75 = arith.constant 0 : index
    %get3A_76 = vector.load %arg3[%get3A_74, %get3A_75] : memref<1024x128xbf16, #tpu.memory_space<vmem>>, vector<128x128xbf16>
    %dot_general3A_77 = arith.constant dense<0.000000e+00> : vector<640x128xf32>
    %dot_general3A_78 = tpu.matmul %convert_element_type3A_27, %get3A_76, %dot_general3A_77 {dimension_numbers = #tpu.dot_dimension_numbers<[1], [0], [0], [1], [0, 0, 1, 1], [], []>, transpose_lhs_hint = false} : vector<640x128xbf16>, vector<128x128xbf16>, vector<640x128xf32> -> vector<640x128xf32>
    %mul3A_79 = vector.broadcast %slice3A_73 : vector<640x1xf32> to vector<640x128xf32>
    %mul3A_80 = arith.mulf %mul3A_79, %dot_general3A_78 : vector<640x128xf32>
    %add3A_81 = arith.addf %add3A_72, %mul3A_80 : vector<640x128xf32>
    %slice3A_82 = vector.extract_strided_slice %mul3A_23 {offsets = [0, 6], sizes = [640, 1], strides = [1, 1]} : vector<640x8xf32> to vector<640x1xf32>
    %get3A_83 = arith.constant 768 : index
    %get3A_84 = arith.constant 0 : index
    %get3A_85 = vector.load %arg3[%get3A_83, %get3A_84] : memref<1024x128xbf16, #tpu.memory_space<vmem>>, vector<128x128xbf16>
    %dot_general3A_86 = arith.constant dense<0.000000e+00> : vector<640x128xf32>
    %dot_general3A_87 = tpu.matmul %convert_element_type3A_27, %get3A_85, %dot_general3A_86 {dimension_numbers = #tpu.dot_dimension_numbers<[1], [0], [0], [1], [0, 0, 1, 1], [], []>, transpose_lhs_hint = false} : vector<640x128xbf16>, vector<128x128xbf16>, vector<640x128xf32> -> vector<640x128xf32>
    %mul3A_88 = vector.broadcast %slice3A_82 : vector<640x1xf32> to vector<640x128xf32>
    %mul3A_89 = arith.mulf %mul3A_88, %dot_general3A_87 : vector<640x128xf32>
    %add3A_90 = arith.addf %add3A_81, %mul3A_89 : vector<640x128xf32>
    %slice3A_91 = vector.extract_strided_slice %mul3A_23 {offsets = [0, 7], sizes = [640, 1], strides = [1, 1]} : vector<640x8xf32> to vector<640x1xf32>
    %get3A_92 = arith.constant 896 : index
    %get3A_93 = arith.constant 0 : index
    %get3A_94 = vector.load %arg3[%get3A_92, %get3A_93] : memref<1024x128xbf16, #tpu.memory_space<vmem>>, vector<128x128xbf16>
    %dot_general3A_95 = arith.constant dense<0.000000e+00> : vector<640x128xf32>
    %dot_general3A_96 = tpu.matmul %convert_element_type3A_27, %get3A_94, %dot_general3A_95 {dimension_numbers = #tpu.dot_dimension_numbers<[1], [0], [0], [1], [0, 0, 1, 1], [], []>, transpose_lhs_hint = false} : vector<640x128xbf16>, vector<128x128xbf16>, vector<640x128xf32> -> vector<640x128xf32>
    %mul3A_97 = vector.broadcast %slice3A_91 : vector<640x1xf32> to vector<640x128xf32>
    %mul3A_98 = arith.mulf %mul3A_97, %dot_general3A_96 : vector<640x128xf32>
    %add3A_99 = arith.addf %add3A_90, %mul3A_98 : vector<640x128xf32>
    %swap3A = arith.constant 0 : index
    %swap3A_100 = arith.constant 0 : index
    %swap3A_101 = vector.load %arg4[%swap3A, %swap3A_100] : memref<640x128xf32, #tpu.memory_space<vmem>>, vector<640x128xf32>
    tpu.vector_store %arg4[%swap3A, %swap3A_100], %add3A_99 {strides = array<i32>} : memref<640x128xf32, #tpu.memory_space<vmem>>, vector<640x128xf32>,
    return
  }
  func.func @transform_0(%arg0: i32) -> (i32, i32) {
    %c0_i32 = arith.constant 0 : i32
    %c0_i32_0 = arith.constant 0 : i32
    return %arg0, %c0_i32 : i32, i32
  }
  func.func @transform_1(%arg0: i32) -> (i32, i32) {
    %c0_i32 = arith.constant 0 : i32
    %c0_i32_0 = arith.constant 0 : i32
    return %arg0, %c0_i32 : i32, i32
  }
  func.func @transform_2(%arg0: i32) -> (i32, i32) {
    %c0_i32 = arith.constant 0 : i32
    %c0_i32_0 = arith.constant 0 : i32
    %c0_i32_1 = arith.constant 0 : i32
    return %c0_i32, %c0_i32_0 : i32, i32
  }
  func.func @transform_3(%arg0: i32) -> (i32, i32) {
    %c0_i32 = arith.constant 0 : i32
    %c0_i32_0 = arith.constant 0 : i32
    return %arg0, %c0_i32 : i32, i32
  }
}

module attributes {stable_mosaic.version = 14 : i64} {
  func.func @_sum_body(%arg0: i32, %arg1: memref<2x2000x128xf32, #tpu.memory_space<vmem>>, %arg2: memref<2000x128xf32, #tpu.memory_space<vmem>>) attributes {dimension_semantics = [#tpu.dimension_semantics<arbitrary>], iteration_bounds = array<i64: 5>, scalar_prefetch = 0 : i64, scratch_operands = 0 : i64, tpu.core_type = #tpu.core_type<tc>, window_params = [{transform_indices = @transform_0, window_bounds = array<i64: 2, 2000, 128>}, {transform_indices = @transform_1, window_bounds = array<i64: 2000, 128>}]} {
    %get3A = arith.constant 0 : index
    %get3A_0 = arith.constant 0 : index
    %get3A_1 = arith.constant 0 : index
    %get3A_2 = vector.load %arg1[%get3A, %get3A_0, %get3A_1] : memref<2x2000x128xf32, #tpu.memory_space<vmem>>, vector<1x2000x128xf32>
    %get3A_3 = vector.shape_cast %get3A_2 : vector<1x2000x128xf32> to vector<2000x128xf32>
    %get3A_4 = arith.constant 1 : index
    %get3A_5 = arith.constant 0 : index
    %get3A_6 = arith.constant 0 : index
    %get3A_7 = vector.load %arg1[%get3A_4, %get3A_5, %get3A_6] : memref<2x2000x128xf32, #tpu.memory_space<vmem>>, vector<1x2000x128xf32>
    %get3A_8 = vector.shape_cast %get3A_7 : vector<1x2000x128xf32> to vector<2000x128xf32>
    %add3A = arith.addf %get3A_3, %get3A_8 : vector<2000x128xf32>
    %swap3A = arith.constant 0 : index
    %swap3A_9 = arith.constant 0 : index
    %swap3A_10 = vector.load %arg2[%swap3A, %swap3A_9] : memref<2000x128xf32, #tpu.memory_space<vmem>>, vector<2000x128xf32>
    tpu.vector_store %arg2[%swap3A, %swap3A_9], %add3A {strides = array<i32>} : memref<2000x128xf32, #tpu.memory_space<vmem>>, vector<2000x128xf32>,
    return
  }
  func.func @transform_0(%arg0: i32) -> (i32, i32, i32) {
    %c0_i32 = arith.constant 0 : i32
    %c0_i32_0 = arith.constant 0 : i32
    %c0_i32_1 = arith.constant 0 : i32
    return %c0_i32, %arg0, %c0_i32_0 : i32, i32, i32
  }
  func.func @transform_1(%arg0: i32) -> (i32, i32) {
    %c0_i32 = arith.constant 0 : i32
    %c0_i32_0 = arith.constant 0 : i32
    return %arg0, %c0_i32 : i32, i32
  }
}

</mosaic_0001>

<sc_bundles>
// kernel: kernel.12.cloned.1.call-start
scs
__scs_entry_jumppad:
0x0: {  	(pc) =	sbr.rel $0x88, $3  }
0x1: {  	(tag) =	ssettag $0x0;
	lr =	simm.s32 $0x1  }
0x2: {  	[smem:$0x3F9D] =	sst lr;
	_ =	strace $0xD0000000  }
0x3: {  	_ = 	snop  }
0x4: {  	_ = 	snop  }
0x5: {  	_ = 	snop  }
0x6: {  	_ = 	snop  }
0x7: {  	_ = 	snop  }
__scs_overlays_trampoline_lowered:
0x8: {  	[smem:$0x3FAC] =	sst s0  }
0x9: {  	[smem:$0x3FAD] =	sst s1  }
0xa: {  	[smem:$0x3FAE] =	sst s2  }
0xb: {  	[smem:$0x3FAF] =	sst s3  }
0xc: {  	[smem:$0x3FB0] =	sst s4  }
0xd: {  	[smem:$0x3FB1] =	sst s5  }
0xe: {  	[smem:$0x3FB2] =	sst s6  }
0xf: {  	[smem:$0x3FB3] =	sst s7  }
0x10: {  	[smem:$0x3FB4] =	sst s8  }
0x11: {  	[smem:$0x3FB5] =	sst s9;
	s0 =	simm.s32 @!p0 $0x0  }
0x12: {  	s1 =	sld [smem:$0x3F9B];
	s0 =	simm.s32 @p0 $0x1  }
0x13: {  	[smem:$0x3FB6] =	sst s0;
	s0 =	simm.s32 @!p1 $0x0  }
0x14: {  	s2 =	sld [smem:$0x3F9A];
	s0 =	simm.s32 @p1 $0x1  }
0x15: {  	[smem:$0x3FB7] =	sst s0;
	s0 =	simm.s32 @!p2 $0x0  }
0x16: {  	s3 =	sld [smem:$0x3FDB];
	s0 =	simm.s32 @p2 $0x1  }
0x17: {  	s4 =	simm.s32 $0x1BF5;
	[smem:$0x3FB9] =	sst s0  }
0x18: {  	s0 =	sld [smem:$0x3F9C];
	_ =	swait.ge [sflag:s4], $0x0  }
0x19: {  	s7 =	sld [smem:$0x3F9D]  }
0x1a: {  	s8 =	sadd.s32 $0xFFFFE003, lr  }
0x1b: {  	s9 =	sadd.s32 $0xFFFFFEF7, lr;
	s5 =	simm.s32 $0xFFFFFFFF;
	p2 =	slt.u32 s8, $0xFFFFF086  }
0x1c: {  	p1 =	slt.u32 s9, $0xF7A;
	s5 =	simm.s32 @!p2 $0x0  }
0x1d: {  	s5 =	simm.s32 @p1 $0x1;
	p0 =	seq.s32 s7, s2  }
0x1e: {  	s7 =	smul.u32 @!p0 $0xF7A, s2;
	p2 =	seq.s32 @!p0 s5, $0x0  }
0x1f: {  	s9 =	smul.u32 $0xF7A, s1;
	s8 =	simm.s32 @!p0 $0x1BF5;
	p2 =	por !p2, p0  }
0x20: {  	[sflag:s8] =	ssyncset.s32 @!p0 $0xFFFFF086;
	s6 =	sadd.s32 @!p0 s3, s7;
	s7 =	simm.s32 @!p0 $0x108  }
0x21: {  	s3 =	sadd.s32 s3, s9;
	s6 =	sadd.s32 @!p0 $0x88, s6;
	s7 =	simm.s32 @p2 $0x1082  }
0x22: {  	[simem:s7], [sflag:s8] =	dma.local @!p0 [hbm:s6], $0xF7A  }
0x23: {  	s9 =	sor.u32 $0xD0000000, s2;
	s6 =	simm.s32 $0x108;
	_ =	swait.ge @!p0 [sflag:s8], $0x0  }
0x24: {  	s3 =	sadd.s32 $0x88, s3;
	s6 =	simm.s32 @!p1 $0x1082;
	[sflag:s4] =	ssyncset.s32 $0xFFFFF086  }
0x25: {  	[simem:s6], [sflag:s4] =	dma.local [hbm:s3], $0xF7A  }
0x26: {  	[smem:$0x3F9D] =	sst s1;
	(tag) =	ssettag s2;
	_ =	strace s9  }
0x27: {  	s1 =	sld [smem:$0x3FAD]  }
0x28: {  	s2 =	sld [smem:$0x3FAE]  }
0x29: {  	s4 =	sld [smem:$0x3FB0]  }
0x2a: {  	p0 =	seq.s32 s5, $0x0;
	s5 =	sld [smem:$0x3FB1]  }
0x2b: {  	s6 =	sld [smem:$0x3FB2]  }
0x2c: {  	s7 =	sld [smem:$0x3FB3]  }
0x2d: {  	s3 =	simm.s32 $0x108;
	s8 =	sld [smem:$0x3FB4]  }
0x2e: {  	s3 =	simm.s32 @!p0 $0x1082;
	s9 =	sld [smem:$0x3FB5]  }
0x2f: {  	lr =	sadd.s32 s0, s3;
	s0 =	sld [smem:$0x3FAC]  }
0x30: {  	s3 =	sld [smem:$0x3FAF]  }
0x31: {  	[smem:$0x3FB8] =	sst s10  }
0x32: {  	s10 =	sld [smem:$0x3FB6];
	_ =	sdelay $0x3  }
0x33: {  	p0 =	seq.s32 s10, $0x1;
	s10 =	sld [smem:$0x3FB8];
	_ =	sdelay $0x3  }
0x34: {  	[smem:$0x3FB8] =	sst s10  }
0x35: {  	s10 =	sld [smem:$0x3FB7];
	_ =	sdelay $0x3  }
0x36: {  	p1 =	seq.s32 s10, $0x1;
	s10 =	sld [smem:$0x3FB8];
	_ =	sdelay $0x3  }
0x37: {  	[smem:$0x3FB8] =	sst s10  }
0x38: {  	s10 =	sld [smem:$0x3FB9]  }
0x39: {  	_ = 	snop;
	(pc) =	sbr.ind lr, $3  }
0x3a: {  	_ = 	snop  }
0x3b: {  	_ = 	snop  }
0x3c: {  	p2 =	seq.s32 s10, $0x1;
	s10 =	sld [smem:$0x3FB8]  }
0x3d: {  	_ =	shalt  }
0x3e: {  	_ =	shalt  }
0x3f: {  	_ =	shalt  }
0x40: {  	_ =	shalt  }
0x41: {  	_ =	shalt  }
0x42: {  	_ =	shalt  }
0x43: {  	_ =	shalt  }
0x44: {  	_ =	shalt  }
0x45: {  	_ =	shalt  }
0x46: {  	_ =	shalt  }
0x47: {  	_ =	shalt  }
0x48: {  	_ =	shalt  }
0x49: {  	_ =	shalt  }
0x4a: {  	_ =	shalt  }
0x4b: {  	_ =	shalt  }
0x4c: {  	_ =	shalt  }
0x4d: {  	_ =	shalt  }
0x4e: {  	_ =	shalt  }
0x4f: {  	_ =	shalt  }
0x50: {  	_ =	shalt  }
0x51: {  	_ =	shalt  }
0x52: {  	_ =	shalt  }
0x53: {  	_ =	shalt  }
0x54: {  	_ =	shalt  }
0x55: {  	_ =	shalt  }
0x56: {  	_ =	shalt  }
0x57: {  	_ =	shalt  }
0x58: {  	_ =	shalt  }
0x59: {  	_ =	shalt  }
0x5a: {  	_ =	shalt  }
0x5b: {  	_ =	shalt  }
0x5c: {  	_ =	shalt  }
0x5d: {  	_ =	shalt  }
0x5e: {  	_ =	shalt  }
0x5f: {  	_ =	shalt  }
0x60: {  	_ =	shalt  }
0x61: {  	_ =	shalt  }
0x62: {  	_ =	shalt  }
0x63: {  	_ =	shalt  }
0x64: {  	_ =	shalt  }
0x65: {  	_ =	shalt  }
0x66: {  	_ =	shalt  }
0x67: {  	_ =	shalt  }
0x68: {  	_ =	shalt  }
0x69: {  	_ =	shalt  }
0x6a: {  	_ =	shalt  }
0x6b: {  	_ =	shalt  }
0x6c: {  	_ =	shalt  }
0x6d: {  	_ =	shalt  }
0x6e: {  	_ =	shalt  }
0x6f: {  	_ =	shalt  }
0x70: {  	_ =	shalt  }
0x71: {  	_ =	shalt  }
0x72: {  	_ =	shalt  }
0x73: {  	_ =	shalt  }
0x74: {  	_ =	shalt  }
0x75: {  	_ =	shalt  }
0x76: {  	_ =	shalt  }
0x77: {  	_ =	shalt  }
0x78: {  	_ =	shalt  }
0x79: {  	_ =	shalt  }
0x7a: {  	_ =	shalt  }
0x7b: {  	_ =	shalt  }
0x7c: {  	_ =	shalt  }
0x7d: {  	_ =	shalt  }
0x7e: {  	_ =	shalt  }
0x7f: {  	_ =	shalt  }
0x80: {  	_ =	shalt  }
0x81: {  	_ =	shalt  }
0x82: {  	_ =	shalt  }
0x83: {  	_ =	shalt  }
0x84: {  	_ =	shalt  }
0x85: {  	_ =	shalt  }
0x86: {  	_ =	shalt  }
0x87: {  	_ =	shalt  }
.Lfunc_end0:
.L_simem_size_0:
called_computation.1_lowered:
.L_overlay_start_0:
0x88: {  	s2 =	sld [smem:$0x3FD9]  }
0x89: {  	s3 =	sld [smem:$0x3FFE];
	_ =	sdelay $0x1  }
0x8a: {  	s1 =	srdreg.scid  }
0x8b: {  	s0 =	sand.u32 $0x1, s1  }
0x8c: {  	s17 =	sshll.u32 s0, $0xA;
	s2 =	sadd.s32 s3, s2  }
0x8d: {  	s2 =	sadd.s32 s2, s17  }
0x8e: {  	[smem:$0x3FC4] =	sst s2  }
0x8f: {  	_ = 	snop  }
0x90: {  	s18 =	sld [smem:$0x3FC9];
	(tm) =	ssettm $0x1  }
0x91: {  	s19 =	sld [smem:$0x3FFB];
	_ =	sdelay $0x3  }
0x92: {  	_ =	strace s19  }
0x93: {  	s2 =	sld [smem:$0x3FFC];
	_ =	sdelay $0x3  }
0x94: {  	_ =	strace s2  }
0x95: {  	s2 =	sld [smem:$0x3FFD];
	_ =	sdelay $0x3  }
0x96: {  	_ =	strace s2  }
0x97: {  	_ =	strace $0x8FFFFFFF  }
0x98: {  	s20 =	sld [smem:$0x3FDB];
	_ =	sdelay $0x1  }
0x99: {  	s4 =	simm.s32 $_scs_section_size  }
0x9a: {  	s5 =	simm.s32 $_size__tile_overlayer_lowered;
	s6 =	simm.s32 $_tile_overlayer_lowered  }
0x9b: {  	s7 =	simm.s32 $0x1BFF;
	s21 =	sshll.u32 s6, $0x1;
	s4 =	sadd.s32 s4, s20  }
0x9c: {  	s22 =	simm.s32 $0x0;
	s5 =	sshll.u32 s5, $0x1;
	s6 =	sadd.s32 s21, s4  }
0x9d: {  	[timem:s22], [sflag:s7] =	dma.local [hbm:s6], s5  }
0x9e: {  	_ =	swait.ge [sflag:s7], s5  }
0x9f: {  	s5 =	ssub.s32 $0x0, s5;
	[sflag:s7] =	ssyncset.done $0x0  }
0xa0: {  	[sflag:s7] =	ssyncadd.s32 s5;
	_ =	sdelay $0x1  }
0xa1: {  	s23 =	simm.s32 $0x1B8B  }
0xa2: {  	_ =	swait.ge [sflag:s23], $0x1  }
0xa3: {  	[sflag:s23] =	ssyncset.done $0x0  }
0xa4: {  	[sflag:s23] =	ssyncadd.s32 $0xFFFFFFFF  }
0xa5: {  	s5 =	sld [smem:$0x0]  }
0xa6: {  	s6 =	sand.u32 $0xFFFFFFFE, s1  }
0xa7: {  	p0 =	sne.s32 s1, s6  }
0xa8: {  	s6 =	sshll.u32 @p0 s6, $0xE  }
0xa9: {  	s6 =	sadd.s32 @p0 $0x11B8D, s6;
	s7 =	sshll.u32 @p0 s5, $0x11  }
0xaa: {  	s6 =	sor.u32 @p0 s7, s6  }
0xab: {  	[sflag:s6] =	ssyncadd.remote.s32 @p0 $0x1;
	_ =	sdelay $0x1  }
0xac: {  	s6 =	simm.s32 @p0 $0x1B8D  }
0xad: {  	_ =	swait.eq @p0 [sflag:s6], $0x1  }
0xae: {  	[sflag:s6] =	ssyncadd.s32 @p0 $0xFFFFFFFF  }
0xaf: {  	s7 =	sshll.u32 @!p0 s1, $0xE  }
0xb0: {  	s7 =	sor.u32 @!p0 $0x4000, s7;
	s6 =	simm.s32 @!p0 $0x1B8D  }
0xb1: {  	s5 =	sshll.u32 @!p0 s5, $0x11;
	s7 =	sadd.s32 @!p0 $0x11B8D, s7;
	_ =	swait.eq @!p0 [sflag:s6], $0x1  }
0xb2: {  	s5 =	sor.u32 @!p0 s5, s7;
	[sflag:s6] =	ssyncadd.s32 @!p0 $0xFFFFFFFF  }
0xb3: {  	s25 =	simm.s32 $0x1B8E;
	s24 =	sld [smem:$0x3FFE];
	[sflag:s5] =	ssyncadd.remote.s32 @!p0 $0x1  }
0xb4: {  	s26 =	simm.s32 $execute0_lowered;
	[smem:$0x3FD2] =	sst s25  }
0xb5: {  	s6 =	sshll.u32 s26, $0x1;
	_ =	strace $0x80000049;
	[dreg:$0x1] =	wrdreg $0xFFFFFFFF  }
0xb6: {  	s28 =	simm.s32 $_size_execute0_lowered;
	s4 =	sadd.s32 s4, s6;
	[dreg:$0x0] =	wrdreg $0x0  }
0xb7: {  	s6 =	sshll.u32 s28, $0x1;
	[dreg:$0x2] =	wrdreg s4  }
0xb8: {  	[dreg:$0x3] =	wrdreg s6  }
0xb9: {  	[dreg:$0x4] =	wrdreg $0xC0  }
0xba: {  	_ =	task [dreg:s22], $0x5FFFF  }
0xbb: {  	[dreg:$0x1] =	wrdreg $0xFFFFFFFF  }
0xbc: {  	[dreg:$0x0] =	wrdreg $0x60  }
0xbd: {  	[dreg:$0x2] =	wrdreg s18  }
0xbe: {  	[dreg:$0x3] =	wrdreg s24  }
0xbf: {  	[dreg:$0x4] =	wrdreg $0x9  }
0xc0: {  	_ =	task.clear_ibuf [dreg:s22], $0x5FFFF;
	_ =	strace $0x90000049  }
0xc1: {  	s29 =	simm.s32 $0x9;
	_ =	strace $0x8000004B  }
0xc2: {  	_ =	swait.ge [sflag:s29], $0x1  }
0xc3: {  	[sflag:s29] =	ssyncadd.s32 $0xFFFFFFFF  }
0xc4: {  	_ =	strace $0x9000004B  }
0xc5: {  	_ =	sfence  }
0xc6: {  	s30 =	sld [smem:$0x0];
	_ =	sdelay $0x2  }
0xc7: {  	s31 =	sshll.u32 s1, $0xD;
	s1 =	sshrl.u32 s1, $0x2  }
0xc8: {  	s4 =	sand.u32 $0x4000, s31;
	s1 =	sadd.s32 s1, s30  }
0xc9: {  	s0 =	sor.u32 s4, s0;
	s1 =	sshll.u32 s1, $0x11  }
0xca: {  	s0 =	sor.u32 s1, s0  }
0xcb: {  	s0 =	sadd.s32 $0x8F2B, s0  }
0xcc: {  	[sflag:s0] =	ssyncadd.remote.s32 $0x1  }
0xcd: {  	_ =	sfence.sel $0xFFFF  }
0xce: {  	[dreg:$0x0] =	wrdreg $0xFFFFFFFF;
	(pc) =	sbr.abs _section_cstart, $3  }
0xcf: {  	[dreg:$0x1] =	wrdreg $0xFFFFFFFF  }
0xd0: {  	_ =	task.clear_ibuf [dreg:s22], $0x2FFFF;
	_ =	strace $0x9FFFFFFF  }
0xd1: {  	(tm) =	ssettm $0x7FFFFFFF  }
tec
execute0_lowered:
.L_overlay_start_1:
0x0: {  	(tag) =	ssettag $0x1  }
0x1: {  	s1 =	rddreg [dreg:$0x0]  }
0x2: {  	s4 =	rddreg [dreg:$0x1];
	s3 =	simm.s32 $0x0;
	s5 =	srdreg.scid  }
0x3: {  	s2 =	stileid.u32;
	s10 =	simm.s32 $0x80;
	s11 =	simm.s32 $0x5400  }
0x4: {  	s12 =	simm.s32 $0x100;
	s13 =	simm.s32 $0x6800;
	s14 =	simm.s32 $0x180  }
0x5: {  	s15 =	simm.s32 $0x7C00;
	s16 =	simm.s32 $0x1;
	s17 =	simm.s32 $0x2  }
0x6: {  	s18 =	simm.s32 $0x0;
	[smem:$0x7FF] =	sst s3;
	s5 =	sand.u32 $0x1, s5  }
0x7: {  	s6 =	sshll.u32 s2, $0xC;
	s7 =	smul.u32 $0x27100, s2;
	_ =	strace $0x8000004A  }
0x8: {  	s8 =	sshll.u32 s5, $0xB;
	s9 =	ssub.s32 $0x2, s5;
	s5 =	smul.u32 $0x13880, s5  }
0x9: {  	s6 =	sor.u32 s8, s6;
	s7 =	sadd.s32 s7, s4;
	s30 =	sshrl.u32 s9, $0x1  }
0xa: {  	s8 =	simm.s32 $0x28;
	s4 =	sadd.s32 s6, s4;
	s31 =	ssub.s32 s9, s30  }
0xb: {  	s7 =	sadd.s32 s5, s7;
	s9 =	simm.s32 $0x4000;
	s4 =	sadd.s32 $0x291200, s4  }
0xc: {  	s5 =	smax.u32 s31, $0x1;
	s6 =	sadd.s32 $0x2A1200, s7;
	s7 =	simm.s32 $0x3  }
.LBB2_1:
0xd: {  	[tilespmem:s3], [sflag:$0x3] =	stream.linear.gather [hbm4b:s4+s3], $0x3E80, $0x38;
	[tilespmem:$0xA400] =	vst v63  }
0xe: {  	s19 =	simm.s32 $0x0  }
0xf: {  	_ =	swait.ge [sflag:s7], $0x3E80;
	s19 =	smul.u32 $0xCD, s19  }
0x10: {  	[sflag:s7] =	ssyncset.done $0x0  }
0x11: {  	[sflag:s7] =	ssyncadd.s32 $0xFFFFC180;
	s19 =	sshrl.u32 s19, $0xA  }
0x12: {  	[tilespmem:s9], [sflag:$0x1] =	stream.indirect.gather [hbm4b:s1+s8], $0x80, s3, s8, $0xb8;
	[tilespmem:$0xA400] =	vst v63  }
0x13: {  	s19 =	sand.u32 $0x3F, s19  }
0x14: {  	s19 =	smul.u32 $0x5, s19  }
0x15: {  	[tilespmem:s11], [sflag:$0x1] =	stream.indirect.gather [hbm4b:s1+s8], $0x80, s10, s8, $0xb8;
	[tilespmem:$0xA400] =	vst v63  }
0x16: {  	s20 =	simm.s32 $0x4;
	p0 =	por $0x1, $0x1;
	s19 =	ssub.s32 $0x0, s19  }
0x17: {  	[tilespmem:s13], [sflag:$0x1] =	stream.indirect.gather [hbm4b:s1+s8], $0x80, s12, s8, $0xb8;
	[tilespmem:$0xA400] =	vst v63  }
0x18: {  	s20 =	smul.u32 @!p0 $0xCD, s20;
	s19 =	sand.u32 $0xFF, s19  }
0x19: {  	p1 =	por @p0 $0x0, $0x0;
	s21 =	smul.u32 $0x5000, s19  }
0x1a: {  	[tilespmem:s15], [sflag:$0x1] =	stream.indirect.gather [hbm4b:s1+s8], $0x80, s14, s8, $0xb8;
	[tilespmem:$0xA400] =	vst v63  }
0x1b: {  	p1 =	por p1, !p0;
	s20 =	sshrl.u32 @!p0 s20, $0xA;
	_ =	swait.ge [sflag:s16], $0x1400  }
0x1c: {  	s20 =	sand.u32 @!p0 $0x3F, s20;
	s21 =	sshrl.u32 s21, $0x2;
	[sflag:s16] =	ssyncset.done $0x0  }
0x1d: {  	s20 =	smul.u32 @!p0 $0x5, s20;
	s21 =	sadd.s32 $0x4000, s21;
	[sflag:s16] =	ssyncadd.s32 $0xFFFFEC00  }
0x1e: {  	[hbm4b:s6+s3] =	stream.linear.scatter [tilespmem:s21], [sflag:$0x2], $0x1400, $0x38;
	[tilespmem:$0xA400] =	vst v63  }
0x1f: {  	s22 =	simm.s32 $0x1;
	s23 =	simm.s32 @!p1 $0x28;
	s21 =	ssub.s32 @!p0 $0x4, s20  }
0x20: {  	s24 =	simm.s32 @!p1 $0x9000;
	s20 =	simm.s32 @!p1 $0x200;
	s25 =	sand.u32 @!p0 $0xFF, s21  }
0x21: {  	[tilespmem:s24], [sflag:$0x1] =	stream.indirect.gather @!p1 [hbm4b:s1+s23], $0x80, s20, s23, $0xb8;
	[tilespmem:$0xA400] =	vst v63  }
0x22: {  	s19 =	simm.s32 $0x200;
	s21 =	sadd.s32 $0x280, s6;
	s25 =	smul.u32 @!p0 $0x5000, s25  }
0x23: {  	s20 =	simm.s32 $0x5;
	s24 =	smul.u32 $0xCD, s22;
	s23 =	simm.s32 $0x6  }
.LBB2_2:
0x24: {  	s25 =	sshrl.u32 @!p0 s25, $0x2  }
0x25: {  	s26 =	smov.u32 s20;
	s20 =	smov.u32 s23;
	s23 =	sadd.s32 $0x1, s23  }
0x26: {  	s28 =	smov.u32 s19;
	s19 =	sadd.s32 $0x80, s19;
	p2 =	por p0, p0  }
0x27: {  	s24 =	sshrl.u32 s24, $0xA;
	p1 =	sne.s32 s23, $0x81;
	s25 =	sadd.s32 @!p2 $0x4000, s25  }
0x28: {  	s29 =	smov.u32 s21;
	s24 =	sand.u32 $0x3F, s24  }
0x29: {  	s30 =	sadd.s32 $0xFFFFFFFB, s26;
	s31 =	simm.s32 @!p2 $0x2;
	s24 =	smul.u32 $0x5, s24  }
0x2a: {  	p0 =	sgt.u32 s30, $0x77;
	_ =	swait.ge @!p2 [sflag:s31], $0x1400  }
0x2b: {  	p3 =	sne.s32 @p0 s26, $0x4;
	s22 =	ssub.s32 s22, s24;
	s24 =	smul.u32 @!p0 $0xCD, s26  }
0x2c: {  	p3 =	por p3, !p0;
	s22 =	sand.u32 $0xFF, s22;
	[sflag:s31] =	ssyncset.done @!p2 $0x0  }
0x2d: {  	s22 =	smul.u32 $0x5000, s22;
	s24 =	sshrl.u32 @!p0 s24, $0xA;
	[sflag:s31] =	ssyncadd.s32 @!p2 $0xFFFFEC00  }
0x2e: {  	s21 =	sadd.s32 $0x280, s21;
	s30 =	simm.s32 @!p2 $0x28;
	s24 =	sand.u32 @!p0 $0x3F, s24  }
0x2f: {  	s31 =	sshrl.u32 s22, $0x2;
	s0 =	smul.u32 @!p0 $0x5, s24;
	s22 =	sadd.s32 $0xFFFFFFFC, s20  }
0x30: {  	[tilespmem:s25], [sflag:$0x1] =	stream.indirect.gather @!p2 [hbm4b:s1+s30], $0x80, s28, s30, $0xb8;
	[tilespmem:$0xA400] =	vst v63  }
0x31: {  	s24 =	smul.u32 $0xCD, s22;
	s28 =	simm.s32 @!p3 $0x28;
	_ =	swait.ge [sflag:s16], $0x1400  }
.Ltmp0:
0x32: {  	s0 =	ssub.s32 @!p0 s26, s0;
	[sflag:s16] =	ssyncset.done $0x0;
	(pc) =	sbr.rel @p1 .LBB2_2-.Ltmp0, $4  }
0x33: {  	s25 =	sadd.s32 $0x4000, s31;
	s0 =	sand.u32 @!p0 $0xFF, s0;
	[sflag:s16] =	ssyncadd.s32 $0xFFFFEC00  }
0x34: {  	[hbm4b:s29+s3] =	stream.linear.scatter [tilespmem:s25], [sflag:$0x2], $0x1400, $0x38;
	[tilespmem:$0xA400] =	vst v63  }
0x35: {  	s26 =	simm.s32 @!p3 $0x200;
	s29 =	simm.s32 @!p3 $0x9000;
	s25 =	smul.u32 @!p0 $0x5000, s0  }
0x36: {  	[tilespmem:s29], [sflag:$0x1] =	stream.indirect.gather @!p3 [hbm4b:s1+s28], $0x80, s26, s28, $0xb8;
	[tilespmem:$0xA400] =	vst v63  }
0x37: {  	s0 =	sshrl.u32 s24, $0xA;
	s23 =	sshrl.u32 @!p0 s25, $0x2  }
0x38: {  	p1 =	por p0, p0;
	s31 =	sadd.s32 $0xFFFFFFFB, s20;
	s0 =	sand.u32 $0x3F, s0  }
0x39: {  	s23 =	sadd.s32 @!p1 $0x4000, s23;
	s25 =	simm.s32 @!p1 $0x2;
	s0 =	smul.u32 $0x5, s0  }
0x3a: {  	p0 =	sgt.u32 s31, $0x77;
	s24 =	simm.s32 @!p1 $0x28;
	_ =	swait.ge @!p1 [sflag:s25], $0x1400  }
0x3b: {  	p2 =	sne.s32 @p0 s20, $0x4;
	[sflag:s25] =	ssyncset.done @!p1 $0x0;
	s0 =	ssub.s32 s22, s0  }
0x3c: {  	s22 =	smul.u32 @!p0 $0xCD, s20;
	[sflag:s25] =	ssyncadd.s32 @!p1 $0xFFFFEC00;
	s0 =	sand.u32 $0xFF, s0  }
0x3d: {  	[tilespmem:s23], [sflag:$0x1] =	stream.indirect.gather @!p1 [hbm4b:s1+s24], $0x80, s19, s24, $0xb8;
	[tilespmem:$0xA400] =	vst v63  }
0x3e: {  	p1 =	por p2, !p0;
	s0 =	smul.u32 $0x5000, s0  }
0x3f: {  	s22 =	sshrl.u32 @!p0 s22, $0xA;
	_ =	swait.ge [sflag:s16], $0x1400;
	s23 =	simm.s32 @!p1 $0x28  }
0x40: {  	s22 =	sand.u32 @!p0 $0x3F, s22;
	[sflag:s16] =	ssyncset.done $0x0;
	s0 =	sshrl.u32 s0, $0x2  }
0x41: {  	s22 =	smul.u32 @!p0 $0x5, s22;
	[sflag:s16] =	ssyncadd.s32 $0xFFFFEC00;
	s0 =	sadd.s32 $0x4000, s0  }
0x42: {  	[hbm4b:s21+s3] =	stream.linear.scatter [tilespmem:s0], [sflag:$0x2], $0x1400, $0x38;
	[tilespmem:$0xA400] =	vst v63  }
0x43: {  	s0 =	ssub.s32 @!p0 s20, s22;
	s20 =	simm.s32 @!p1 $0x200;
	s21 =	simm.s32 @!p1 $0x9000  }
0x44: {  	[tilespmem:s21], [sflag:$0x1] =	stream.indirect.gather @!p1 [hbm4b:s1+s23], $0x80, s20, s23, $0xb8;
	[tilespmem:$0xA400] =	vst v63  }
0x45: {  	s0 =	sand.u32 @!p0 $0xFF, s0;
	p1 =	por p0, p0  }
0x46: {  	s0 =	smul.u32 @!p0 $0x5000, s0;
	s20 =	simm.s32 @!p1 $0x2  }
0x47: {  	_ =	swait.ge @!p1 [sflag:s20], $0x1400  }
0x48: {  	s19 =	sadd.s32 $0x80, s19;
	s0 =	sshrl.u32 @!p0 s0, $0x2;
	[sflag:s20] =	ssyncset.done @!p1 $0x0  }
0x49: {  	s0 =	sadd.s32 @!p1 $0x4000, s0;
	[sflag:s20] =	ssyncadd.s32 @!p1 $0xFFFFEC00;
	s20 =	simm.s32 @!p1 $0x28  }
0x4a: {  	[tilespmem:s0], [sflag:$0x1] =	stream.indirect.gather @!p1 [hbm4b:s1+s20], $0x80, s19, s20, $0xb8;
	[tilespmem:$0xA400] =	vst v63  }
0x4b: {  	_ =	swait.ge [sflag:s17], $0x1400  }
0x4c: {  	[sflag:s17] =	ssyncset.done $0x0  }
0x4d: {  	[sflag:s17] =	ssyncadd.s32 $0xFFFFEC00  }
0x4e: {  	_ =	swait.ge [sflag:s17], $0x1400  }
0x4f: {  	[sflag:s17] =	ssyncset.done $0x0  }
0x50: {  	[sflag:s17] =	ssyncadd.s32 $0xFFFFEC00  }
0x51: {  	_ =	swait.ge [sflag:s17], $0x1400  }
0x52: {  	[sflag:s17] =	ssyncset.done $0x0  }
0x53: {  	s18 =	sadd.s32 $0x1, s18;
	[sflag:s17] =	ssyncadd.s32 $0xFFFFEC00  }
0x54: {  	p0 =	sne.s32 s18, s5;
	_ =	swait.ge [sflag:s17], $0x1400  }
.Ltmp1:
0x55: {  	[sflag:s17] =	ssyncset.done $0x0;
	(pc) =	sbr.rel @p0 .LBB2_1-.Ltmp1, $4  }
0x56: {  	[sflag:s17] =	ssyncadd.s32 $0xFFFFEC00  }
0x57: {  	_ =	swait.ge [sflag:s17], $0x1400  }
0x58: {  	[sflag:s17] =	ssyncset.done $0x0  }
0x59: {  	[sflag:s17] =	ssyncadd.s32 $0xFFFFEC00  }
0x5a: {  	_ =	sfence.sel $0x180000  }
0x5b: {  	[bflag:$0x0] =	sbarrier.arrive $0xFFFF  }
0x5c: {  	_ =	strace $0x9000004A  }
0x5d: {  	[bflag:$0x2] =	sbarrier.arrive $0xFFFF  }
0x5e: {  	p0 =	sne.s32 s2, $0x0;
	s0 =	rddreg [dreg:$0x2]  }
0x5f: {  	s0 =	sadd.s32 @!p0 $0x100000, s0  }
0x60: {  	[sflag:s0] =	ssyncadd.tile.s32 @!p0 $0x1;
	_ =	shalt  }
.Lfunc_end2:
_tile_overlayer_lowered:
.L_overlay_start_2:
0x61: {  	(tag) =	ssettag $0x2  }
0x62: {  	s0 =	rddreg [dreg:$0x0];
	s2 =	stileid.u32  }
0x63: {  	s1 =	rddreg [dreg:$0x1];
	p0 =	sne.s32 s2, $0x0  }
0x64: {  	s3 =	rddreg [dreg:$0x2];
	[bflag:$0x3] =	sbarrier.arrive $0xFFFF;
	s2 =	simm.s32 @!p0 $0x1C03  }
0x65: {  	[timem:s3], [sflag:s2] =	dma.local @!p0 [hbm:s0], s1  }
0x66: {  	s0 =	simm.s32 @!p0 $0x3  }
0x67: {  	_ =	swait.ge @!p0 [sflag:s0], s1  }
0x68: {  	s1 =	ssub.s32 @!p0 $0x0, s1;
	[sflag:s0] =	ssyncset.done @!p0 $0x0  }
0x69: {  	[sflag:s0] =	ssyncadd.s32 @!p0 s1  }
0x6a: {  	[bflag:$0x3] =	sbarrier.arrive $0xFFFF  }
0x6b: {  	_ =	shalt  }

// kernel: kernel.15.cloned.1.call-start
scs
__scs_entry_jumppad:
0x0: {  	(pc) =	sbr.rel $0x88, $3  }
0x1: {  	(tag) =	ssettag $0x0;
	lr =	simm.s32 $0x1  }
0x2: {  	[smem:$0x3F9D] =	sst lr;
	_ =	strace $0xD0000000  }
0x3: {  	_ = 	snop  }
0x4: {  	_ = 	snop  }
0x5: {  	_ = 	snop  }
0x6: {  	_ = 	snop  }
0x7: {  	_ = 	snop  }
__scs_overlays_trampoline_lowered:
0x8: {  	[smem:$0x3FAC] =	sst s0  }
0x9: {  	[smem:$0x3FAD] =	sst s1  }
0xa: {  	[smem:$0x3FAE] =	sst s2  }
0xb: {  	[smem:$0x3FAF] =	sst s3  }
0xc: {  	[smem:$0x3FB0] =	sst s4  }
0xd: {  	[smem:$0x3FB1] =	sst s5  }
0xe: {  	[smem:$0x3FB2] =	sst s6  }
0xf: {  	[smem:$0x3FB3] =	sst s7  }
0x10: {  	[smem:$0x3FB4] =	sst s8  }
0x11: {  	[smem:$0x3FB5] =	sst s9;
	s0 =	simm.s32 @!p0 $0x0  }
0x12: {  	s1 =	sld [smem:$0x3F9B];
	s0 =	simm.s32 @p0 $0x1  }
0x13: {  	[smem:$0x3FB6] =	sst s0;
	s0 =	simm.s32 @!p1 $0x0  }
0x14: {  	s2 =	sld [smem:$0x3F9A];
	s0 =	simm.s32 @p1 $0x1  }
0x15: {  	[smem:$0x3FB7] =	sst s0;
	s0 =	simm.s32 @!p2 $0x0  }
0x16: {  	s3 =	sld [smem:$0x3FDB];
	s0 =	simm.s32 @p2 $0x1  }
0x17: {  	s4 =	simm.s32 $0x1BF5;
	[smem:$0x3FB9] =	sst s0  }
0x18: {  	s0 =	sld [smem:$0x3F9C];
	_ =	swait.ge [sflag:s4], $0x0  }
0x19: {  	s7 =	sld [smem:$0x3F9D]  }
0x1a: {  	s8 =	sadd.s32 $0xFFFFE003, lr  }
0x1b: {  	s9 =	sadd.s32 $0xFFFFFEF7, lr;
	s5 =	simm.s32 $0xFFFFFFFF;
	p2 =	slt.u32 s8, $0xFFFFF086  }
0x1c: {  	p1 =	slt.u32 s9, $0xF7A;
	s5 =	simm.s32 @!p2 $0x0  }
0x1d: {  	s5 =	simm.s32 @p1 $0x1;
	p0 =	seq.s32 s7, s2  }
0x1e: {  	s7 =	smul.u32 @!p0 $0xF7A, s2;
	p2 =	seq.s32 @!p0 s5, $0x0  }
0x1f: {  	s9 =	smul.u32 $0xF7A, s1;
	s8 =	simm.s32 @!p0 $0x1BF5;
	p2 =	por !p2, p0  }
0x20: {  	[sflag:s8] =	ssyncset.s32 @!p0 $0xFFFFF086;
	s6 =	sadd.s32 @!p0 s3, s7;
	s7 =	simm.s32 @!p0 $0x108  }
0x21: {  	s3 =	sadd.s32 s3, s9;
	s6 =	sadd.s32 @!p0 $0x88, s6;
	s7 =	simm.s32 @p2 $0x1082  }
0x22: {  	[simem:s7], [sflag:s8] =	dma.local @!p0 [hbm:s6], $0xF7A  }
0x23: {  	s9 =	sor.u32 $0xD0000000, s2;
	s6 =	simm.s32 $0x108;
	_ =	swait.ge @!p0 [sflag:s8], $0x0  }
0x24: {  	s3 =	sadd.s32 $0x88, s3;
	s6 =	simm.s32 @!p1 $0x1082;
	[sflag:s4] =	ssyncset.s32 $0xFFFFF086  }
0x25: {  	[simem:s6], [sflag:s4] =	dma.local [hbm:s3], $0xF7A  }
0x26: {  	[smem:$0x3F9D] =	sst s1;
	(tag) =	ssettag s2;
	_ =	strace s9  }
0x27: {  	s1 =	sld [smem:$0x3FAD]  }
0x28: {  	s2 =	sld [smem:$0x3FAE]  }
0x29: {  	s4 =	sld [smem:$0x3FB0]  }
0x2a: {  	p0 =	seq.s32 s5, $0x0;
	s5 =	sld [smem:$0x3FB1]  }
0x2b: {  	s6 =	sld [smem:$0x3FB2]  }
0x2c: {  	s7 =	sld [smem:$0x3FB3]  }
0x2d: {  	s3 =	simm.s32 $0x108;
	s8 =	sld [smem:$0x3FB4]  }
0x2e: {  	s3 =	simm.s32 @!p0 $0x1082;
	s9 =	sld [smem:$0x3FB5]  }
0x2f: {  	lr =	sadd.s32 s0, s3;
	s0 =	sld [smem:$0x3FAC]  }
0x30: {  	s3 =	sld [smem:$0x3FAF]  }
0x31: {  	[smem:$0x3FB8] =	sst s10  }
0x32: {  	s10 =	sld [smem:$0x3FB6];
	_ =	sdelay $0x3  }
0x33: {  	p0 =	seq.s32 s10, $0x1;
	s10 =	sld [smem:$0x3FB8];
	_ =	sdelay $0x3  }
0x34: {  	[smem:$0x3FB8] =	sst s10  }
0x35: {  	s10 =	sld [smem:$0x3FB7];
	_ =	sdelay $0x3  }
0x36: {  	p1 =	seq.s32 s10, $0x1;
	s10 =	sld [smem:$0x3FB8];
	_ =	sdelay $0x3  }
0x37: {  	[smem:$0x3FB8] =	sst s10  }
0x38: {  	s10 =	sld [smem:$0x3FB9]  }
0x39: {  	_ = 	snop;
	(pc) =	sbr.ind lr, $3  }
0x3a: {  	_ = 	snop  }
0x3b: {  	_ = 	snop  }
0x3c: {  	p2 =	seq.s32 s10, $0x1;
	s10 =	sld [smem:$0x3FB8]  }
0x3d: {  	_ =	shalt  }
0x3e: {  	_ =	shalt  }
0x3f: {  	_ =	shalt  }
0x40: {  	_ =	shalt  }
0x41: {  	_ =	shalt  }
0x42: {  	_ =	shalt  }
0x43: {  	_ =	shalt  }
0x44: {  	_ =	shalt  }
0x45: {  	_ =	shalt  }
0x46: {  	_ =	shalt  }
0x47: {  	_ =	shalt  }
0x48: {  	_ =	shalt  }
0x49: {  	_ =	shalt  }
0x4a: {  	_ =	shalt  }
0x4b: {  	_ =	shalt  }
0x4c: {  	_ =	shalt  }
0x4d: {  	_ =	shalt  }
0x4e: {  	_ =	shalt  }
0x4f: {  	_ =	shalt  }
0x50: {  	_ =	shalt  }
0x51: {  	_ =	shalt  }
0x52: {  	_ =	shalt  }
0x53: {  	_ =	shalt  }
0x54: {  	_ =	shalt  }
0x55: {  	_ =	shalt  }
0x56: {  	_ =	shalt  }
0x57: {  	_ =	shalt  }
0x58: {  	_ =	shalt  }
0x59: {  	_ =	shalt  }
0x5a: {  	_ =	shalt  }
0x5b: {  	_ =	shalt  }
0x5c: {  	_ =	shalt  }
0x5d: {  	_ =	shalt  }
0x5e: {  	_ =	shalt  }
0x5f: {  	_ =	shalt  }
0x60: {  	_ =	shalt  }
0x61: {  	_ =	shalt  }
0x62: {  	_ =	shalt  }
0x63: {  	_ =	shalt  }
0x64: {  	_ =	shalt  }
0x65: {  	_ =	shalt  }
0x66: {  	_ =	shalt  }
0x67: {  	_ =	shalt  }
0x68: {  	_ =	shalt  }
0x69: {  	_ =	shalt  }
0x6a: {  	_ =	shalt  }
0x6b: {  	_ =	shalt  }
0x6c: {  	_ =	shalt  }
0x6d: {  	_ =	shalt  }
0x6e: {  	_ =	shalt  }
0x6f: {  	_ =	shalt  }
0x70: {  	_ =	shalt  }
0x71: {  	_ =	shalt  }
0x72: {  	_ =	shalt  }
0x73: {  	_ =	shalt  }
0x74: {  	_ =	shalt  }
0x75: {  	_ =	shalt  }
0x76: {  	_ =	shalt  }
0x77: {  	_ =	shalt  }
0x78: {  	_ =	shalt  }
0x79: {  	_ =	shalt  }
0x7a: {  	_ =	shalt  }
0x7b: {  	_ =	shalt  }
0x7c: {  	_ =	shalt  }
0x7d: {  	_ =	shalt  }
0x7e: {  	_ =	shalt  }
0x7f: {  	_ =	shalt  }
0x80: {  	_ =	shalt  }
0x81: {  	_ =	shalt  }
0x82: {  	_ =	shalt  }
0x83: {  	_ =	shalt  }
0x84: {  	_ =	shalt  }
0x85: {  	_ =	shalt  }
0x86: {  	_ =	shalt  }
0x87: {  	_ =	shalt  }
.Lfunc_end0:
.L_simem_size_0:
called_computation.2_lowered:
.L_overlay_start_0:
0x88: {  	s2 =	sld [smem:$0x3FD9]  }
0x89: {  	s3 =	sld [smem:$0x3FFE];
	_ =	sdelay $0x1  }
0x8a: {  	s1 =	srdreg.scid  }
0x8b: {  	s0 =	sand.u32 $0x1, s1  }
0x8c: {  	s17 =	sshll.u32 s0, $0xA;
	s2 =	sadd.s32 s3, s2  }
0x8d: {  	s2 =	sadd.s32 s2, s17  }
0x8e: {  	[smem:$0x3FC4] =	sst s2  }
0x8f: {  	_ = 	snop  }
0x90: {  	(tm) =	ssettm $0x1  }
0x91: {  	s18 =	sld [smem:$0x3FFB];
	_ =	sdelay $0x3  }
0x92: {  	_ =	strace s18  }
0x93: {  	s2 =	sld [smem:$0x3FFC];
	_ =	sdelay $0x3  }
0x94: {  	_ =	strace s2  }
0x95: {  	s2 =	sld [smem:$0x3FFD];
	_ =	sdelay $0x3  }
0x96: {  	_ =	strace s2  }
0x97: {  	_ =	strace $0x8FFFFFFF  }
0x98: {  	s19 =	sld [smem:$0x3FDB];
	_ =	sdelay $0x1  }
0x99: {  	s20 =	simm.s32 $_scs_section_size  }
0x9a: {  	s4 =	simm.s32 $_size__tile_overlayer_lowered;
	s5 =	simm.s32 $_tile_overlayer_lowered  }
0x9b: {  	s6 =	simm.s32 $0x1BFF;
	s21 =	sshll.u32 s5, $0x1;
	s3 =	sadd.s32 s20, s19  }
0x9c: {  	s22 =	simm.s32 $0x0;
	s4 =	sshll.u32 s4, $0x1;
	s5 =	sadd.s32 s21, s3  }
0x9d: {  	[timem:s22], [sflag:s6] =	dma.local [hbm:s5], s4  }
0x9e: {  	_ =	swait.ge [sflag:s6], s4  }
0x9f: {  	s4 =	ssub.s32 $0x0, s4;
	[sflag:s6] =	ssyncset.done $0x0  }
0xa0: {  	[sflag:s6] =	ssyncadd.s32 s4;
	_ =	sdelay $0x1  }
0xa1: {  	s23 =	simm.s32 $0x1B8B  }
0xa2: {  	_ =	swait.ge [sflag:s23], $0x1  }
0xa3: {  	[sflag:s23] =	ssyncset.done $0x0  }
0xa4: {  	[sflag:s23] =	ssyncadd.s32 $0xFFFFFFFF  }
0xa5: {  	s4 =	sld [smem:$0x0]  }
0xa6: {  	s5 =	sand.u32 $0xFFFFFFFE, s1  }
0xa7: {  	p0 =	sne.s32 s1, s5  }
0xa8: {  	s5 =	sshll.u32 @p0 s5, $0xE  }
0xa9: {  	s5 =	sadd.s32 @p0 $0x11B8D, s5;
	s6 =	sshll.u32 @p0 s4, $0x11  }
0xaa: {  	s5 =	sor.u32 @p0 s6, s5  }
0xab: {  	[sflag:s5] =	ssyncadd.remote.s32 @p0 $0x1;
	_ =	sdelay $0x1  }
0xac: {  	s5 =	simm.s32 @p0 $0x1B8D  }
0xad: {  	_ =	swait.eq @p0 [sflag:s5], $0x1  }
0xae: {  	[sflag:s5] =	ssyncadd.s32 @p0 $0xFFFFFFFF  }
0xaf: {  	s6 =	sshll.u32 @!p0 s1, $0xE  }
0xb0: {  	s6 =	sor.u32 @!p0 $0x4000, s6;
	s5 =	simm.s32 @!p0 $0x1B8D  }
0xb1: {  	s4 =	sshll.u32 @!p0 s4, $0x11;
	s6 =	sadd.s32 @!p0 $0x11B8D, s6;
	_ =	swait.eq @!p0 [sflag:s5], $0x1  }
0xb2: {  	s4 =	sor.u32 @!p0 s4, s6;
	[sflag:s5] =	ssyncadd.s32 @!p0 $0xFFFFFFFF  }
0xb3: {  	s25 =	simm.s32 $0x1B8E;
	s24 =	sld [smem:$0x3FFE];
	[sflag:s4] =	ssyncadd.remote.s32 @!p0 $0x1  }
0xb4: {  	s26 =	simm.s32 $execute0_lowered;
	[smem:$0x3FD2] =	sst s25  }
0xb5: {  	s5 =	sshll.u32 s26, $0x1;
	_ =	strace $0x8000004C;
	[dreg:$0x1] =	wrdreg $0xFFFFFFFF  }
0xb6: {  	s28 =	simm.s32 $_size_execute0_lowered;
	s3 =	sadd.s32 s3, s5;
	[dreg:$0x0] =	wrdreg $0x0  }
0xb7: {  	s5 =	sshll.u32 s28, $0x1;
	[dreg:$0x2] =	wrdreg s3  }
0xb8: {  	[dreg:$0x3] =	wrdreg s5  }
0xb9: {  	[dreg:$0x4] =	wrdreg $0xC0  }
0xba: {  	_ =	task [dreg:s22], $0x5FFFF  }
0xbb: {  	[dreg:$0x1] =	wrdreg $0xFFFFFFFF  }
0xbc: {  	[dreg:$0x0] =	wrdreg $0x60  }
0xbd: {  	[dreg:$0x2] =	wrdreg s24  }
0xbe: {  	[dreg:$0x3] =	wrdreg $0x68000  }
0xbf: {  	[dreg:$0x4] =	wrdreg $0xA  }
0xc0: {  	_ =	task.clear_ibuf [dreg:s22], $0x5FFFF;
	_ =	strace $0x9000004C  }
0xc1: {  	s29 =	simm.s32 $0xA;
	_ =	strace $0x8000004E  }
0xc2: {  	_ =	swait.ge [sflag:s29], $0x1  }
0xc3: {  	[sflag:s29] =	ssyncadd.s32 $0xFFFFFFFF  }
0xc4: {  	_ =	strace $0x9000004E  }
0xc5: {  	_ =	sfence  }
0xc6: {  	s30 =	sld [smem:$0x0];
	_ =	sdelay $0x2  }
0xc7: {  	s31 =	sshll.u32 s1, $0xD;
	s1 =	sshrl.u32 s1, $0x2  }
0xc8: {  	s4 =	sand.u32 $0x4000, s31;
	s1 =	sadd.s32 s1, s30  }
0xc9: {  	s0 =	sor.u32 s4, s0;
	s1 =	sshll.u32 s1, $0x11  }
0xca: {  	s0 =	sor.u32 s1, s0  }
0xcb: {  	s0 =	sadd.s32 $0x8F2B, s0  }
0xcc: {  	[sflag:s0] =	ssyncadd.remote.s32 $0x1  }
0xcd: {  	_ =	sfence.sel $0xFFFF  }
0xce: {  	[dreg:$0x0] =	wrdreg $0xFFFFFFFF;
	(pc) =	sbr.abs _section_cstart, $3  }
0xcf: {  	[dreg:$0x1] =	wrdreg $0xFFFFFFFF  }
0xd0: {  	_ =	task.clear_ibuf [dreg:s22], $0x2FFFF;
	_ =	strace $0x9FFFFFFF  }
0xd1: {  	(tm) =	ssettm $0x7FFFFFFF  }
tec
execute0_lowered:
.L_overlay_start_1:
0x0: {  	(tag) =	ssettag $0x1  }
0x1: {  	s4 =	rddreg [dreg:$0x0]  }
0x2: {  	s2 =	rddreg [dreg:$0x1]  }
0x3: {  	s0 =	rddreg [dreg:$0x2]  }
0x4: {  	s3 =	simm.s32 $0x0;
	s5 =	srdreg.scid;
	s1 =	stileid.u32  }
0x5: {  	s16 =	simm.s32 $0x5400;
	s17 =	simm.s32 $0x2;
	s10 =	smul.u32 $0x4F000, s1  }
0x6: {  	s18 =	simm.s32 $0x3E00;
	[smem:$0x7FF] =	sst s3;
	s19 =	smul.u32 $0x2780, s1  }
0x7: {  	s7 =	sand.u32 $0x1, s5;
	s22 =	sshll.u32 s1, $0x1;
	s15 =	smul.u32 $0x27100, s1  }
0x8: {  	s8 =	sadd.s32 $0x793200, s4;
	s28 =	sshll.u32 s1, $0x6;
	s6 =	smul.u32 $0x27800, s7  }
0x9: {  	_ =	strace $0x8000004D;
	s5 =	sor.u32 s7, s22;
	s30 =	smul.u32 $0x13880, s7  }
0xa: {  	s23 =	ssub.s32 $0x2, s7;
	s9 =	sshll.u32 s5, $0xB;
	s25 =	smul.u32 $0x13880, s5  }
0xb: {  	s24 =	sshrl.u32 s23, $0x1;
	s10 =	sshrl.u32 s10, $0x2;
	s14 =	smul.u32 $0x9C400, s5  }
0xc: {  	s5 =	sor.u32 $0x1C03, s28;
	s31 =	sadd.s32 s15, s8;
	s15 =	simm.s32 $0x28  }
0xd: {  	s9 =	sadd.s32 s9, s4;
	s11 =	sadd.s32 s6, s4;
	s12 =	ssub.s32 s23, s24  }
0xe: {  	s13 =	sadd.s32 s10, s2;
	s10 =	sadd.s32 s30, s31;
	s26 =	sadd.s32 s19, s11  }
0xf: {  	s6 =	sadd.s32 $0x783200, s9;
	s29 =	sshrl.u32 s14, $0x3;
	s7 =	sadd.s32 s8, s25  }
0x10: {  	s20 =	sadd.s32 $0x561200, s11;
	s10 =	sadd.s32 $0x500, s10;
	s11 =	sshrl.u32 s13, $0x3  }
0x11: {  	s13 =	simm.s32 $0x4000;
	s14 =	simm.s32 $0x1;
	s4 =	sadd.s32 $0x512200, s26  }
0x12: {  	s9 =	sadd.s32 s8, s29;
	s19 =	sadd.s32 s19, s20;
	s20 =	simm.s32 $0x0  }
0x13: {  	s8 =	sadd.s32 $0x280, s9;
	s9 =	smax.u32 s12, $0x1;
	s12 =	simm.s32 $0x3  }
.LBB2_1:
0x14: {  	[spmem:s11], [sflag:s5] =	dma.local [hbm:s4], $0x2780  }
0x15: {  	_ =	swait.ge [sflag:s12], $0x2780  }
0x16: {  	[sflag:s12] =	ssyncset.done $0x0  }
0x17: {  	[sflag:s12] =	ssyncadd.s32 $0xFFFFD880  }
0x18: {  	[tilespmem:s3], [sflag:$0x3] =	stream.linear.gather [hbm4b:s6+s3], $0x3E80, $0x38;
	[tilespmem:$0x1A400] =	vst v63  }
0x19: {  	_ =	swait.ge [sflag:s12], $0x3E80  }
0x1a: {  	[sflag:s12] =	ssyncset.done $0x0  }
0x1b: {  	[sflag:s12] =	ssyncadd.s32 $0xFFFFC180  }
0x1c: {  	[bflag:$0x0] =	sbarrier.arrive $0xFFFF  }
0x1d: {  	[tilespmem:s13], [sflag:$0x1] =	stream.linear.gather [hbm4b:s7+s3], $0x1400, $0x38;
	[tilespmem:$0x1A400] =	vst v63  }
0x1e: {  	_ =	swait.ge [sflag:s14], $0x1400  }
0x1f: {  	[sflag:s14] =	ssyncset.done $0x0  }
0x20: {  	[sflag:s14] =	ssyncadd.s32 $0xFFFFEC00  }
0x21: {  	[spmem:s2] =	stream.indirect.scatter.add.f32 [tilespmem:s13], [sflag:$0x2], $0x80, s3, s15, $0xb8;
	[tilespmem:$0x1A400] =	vst v63  }
0x22: {  	_ = 	snop  }
0x23: {  	[tilespmem:s16], [sflag:$0x1] =	stream.linear.gather [hbm4b:s8+s3], $0x1400, $0x38;
	[tilespmem:$0x1A400] =	vst v63  }
0x24: {  	s21 =	sand.u32 $0x1, s17;
	_ =	swait.ge [sflag:s14], $0x1400  }
0x25: {  	p0 =	seq.s32 s21, $0x1;
	s21 =	simm.s32 $0x4000;
	[sflag:s14] =	ssyncset.done $0x0  }
0x26: {  	s22 =	simm.s32 $0x80;
	s21 =	simm.s32 @!p0 $0x5400;
	[sflag:s14] =	ssyncadd.s32 $0xFFFFEC00  }
0x27: {  	[spmem:s2] =	stream.indirect.scatter.add.f32 [tilespmem:s21], [sflag:$0x2], $0x80, s22, s15, $0xb8;
	[tilespmem:$0x1A400] =	vst v63  }
0x28: {  	s25 =	simm.s32 $0x5400;
	s23 =	sadd.s32 $0x280, s10;
	_ =	swait.ge [sflag:s17], $0x1400  }
0x29: {  	s24 =	smov.u32 s10;
	s25 =	simm.s32 @!p0 $0x4000;
	[sflag:s17] =	ssyncset.done $0x0  }
0x2a: {  	s21 =	simm.s32 $0x3;
	s22 =	simm.s32 $0x100;
	[sflag:s17] =	ssyncadd.s32 $0xFFFFEC00  }
.LBB2_2:
0x2b: {  	[tilespmem:s25], [sflag:$0x1] =	stream.linear.gather [hbm4b:s24+s3], $0x1400, $0x38;
	[tilespmem:$0x1A400] =	vst v63  }
0x2c: {  	s24 =	sand.u32 $0x1, s21  }
0x2d: {  	p0 =	sne.s32 s21, $0x7C;
	s21 =	sadd.s32 $0x1, s21;
	_ =	swait.ge [sflag:s14], $0x1400  }
0x2e: {  	p1 =	seq.s32 s24, $0x1;
	s24 =	simm.s32 $0x4000;
	[sflag:s14] =	ssyncset.done $0x0  }
.Ltmp0:
0x2f: {  	s24 =	simm.s32 @!p1 $0x5400;
	[sflag:s14] =	ssyncadd.s32 $0xFFFFEC00;
	(pc) =	sbr.rel @p0 .LBB2_2-.Ltmp0, $4  }
0x30: {  	[spmem:s2] =	stream.indirect.scatter.add.f32 [tilespmem:s24], [sflag:$0x2], $0x80, s22, s15, $0xb8;
	[tilespmem:$0x1A400] =	vst v63  }
0x31: {  	s24 =	smov.u32 s23;
	_ =	swait.ge [sflag:s17], $0x1400  }
0x32: {  	s25 =	simm.s32 $0x5400;
	s22 =	sadd.s32 $0x80, s22;
	[sflag:s17] =	ssyncset.done $0x0  }
0x33: {  	s25 =	simm.s32 @!p1 $0x4000;
	s23 =	sadd.s32 $0x280, s23;
	[sflag:s17] =	ssyncadd.s32 $0xFFFFEC00  }
0x34: {  	[tilespmem:s25], [sflag:$0x1] =	stream.linear.gather [hbm4b:s24+s3], $0x1400, $0x38;
	[tilespmem:$0x1A400] =	vst v63  }
0x35: {  	_ =	swait.ge [sflag:s14], $0x1400  }
0x36: {  	[sflag:s14] =	ssyncset.done $0x0  }
0x37: {  	[sflag:s14] =	ssyncadd.s32 $0xFFFFEC00  }
0x38: {  	[spmem:s2] =	stream.indirect.scatter.add.f32 [tilespmem:s13], [sflag:$0x2], $0x80, s18, s15, $0xb8;
	[tilespmem:$0x1A400] =	vst v63  }
0x39: {  	_ =	swait.ge [sflag:s17], $0x1400  }
0x3a: {  	[sflag:s17] =	ssyncset.done $0x0  }
0x3b: {  	[sflag:s17] =	ssyncadd.s32 $0xFFFFEC00  }
0x3c: {  	_ =	swait.ge [sflag:s17], $0x1400  }
0x3d: {  	s20 =	sadd.s32 $0x1, s20;
	[sflag:s17] =	ssyncset.done $0x0  }
0x3e: {  	p0 =	sne.s32 s20, s9;
	[sflag:s17] =	ssyncadd.s32 $0xFFFFEC00  }
.Ltmp1:
0x3f: {  	[bflag:$0x0] =	sbarrier.arrive $0xFFFF;
	(pc) =	sbr.rel @p0 .LBB2_1-.Ltmp1, $4  }
0x40: {  	[hbm:s19], [sflag:s5] =	dma.local [spmem:s11], $0x2780  }
0x41: {  	_ =	swait.ge [sflag:s12], $0x2780  }
0x42: {  	[sflag:s12] =	ssyncset.done $0x0  }
0x43: {  	[sflag:s12] =	ssyncadd.s32 $0xFFFFD880  }
0x44: {  	_ =	sfence.sel $0x180000  }
0x45: {  	[bflag:$0x0] =	sbarrier.arrive $0xFFFF  }
0x46: {  	p0 =	sne.s32 s1, $0x0;
	_ =	strace $0x9000004D  }
0x47: {  	s0 =	sadd.s32 @!p0 $0x100000, s0;
	[bflag:$0x2] =	sbarrier.arrive $0xFFFF  }
0x48: {  	[sflag:s0] =	ssyncadd.tile.s32 @!p0 $0x1;
	_ =	shalt  }
.Lfunc_end2:
_tile_overlayer_lowered:
.L_overlay_start_2:
0x49: {  	(tag) =	ssettag $0x2  }
0x4a: {  	s0 =	rddreg [dreg:$0x0];
	s2 =	stileid.u32  }
0x4b: {  	s1 =	rddreg [dreg:$0x1];
	p0 =	sne.s32 s2, $0x0  }
0x4c: {  	s3 =	rddreg [dreg:$0x2];
	[bflag:$0x3] =	sbarrier.arrive $0xFFFF;
	s2 =	simm.s32 @!p0 $0x1C03  }
0x4d: {  	[timem:s3], [sflag:s2] =	dma.local @!p0 [hbm:s0], s1  }
0x4e: {  	s0 =	simm.s32 @!p0 $0x3  }
0x4f: {  	_ =	swait.ge @!p0 [sflag:s0], s1  }
0x50: {  	s1 =	ssub.s32 @!p0 $0x0, s1;
	[sflag:s0] =	ssyncset.done @!p0 $0x0  }
0x51: {  	[sflag:s0] =	ssyncadd.s32 @!p0 s1  }
0x52: {  	[bflag:$0x3] =	sbarrier.arrive $0xFFFF  }
0x53: {  	_ =	shalt  }

// kernel: kernel.18.cloned.1.call-start
scs
__scs_entry_jumppad:
0x0: {  	(pc) =	sbr.rel $0x88, $3  }
0x1: {  	(tag) =	ssettag $0x0;
	lr =	simm.s32 $0x1  }
0x2: {  	[smem:$0x3F9D] =	sst lr;
	_ =	strace $0xD0000000  }
0x3: {  	_ = 	snop  }
0x4: {  	_ = 	snop  }
0x5: {  	_ = 	snop  }
0x6: {  	_ = 	snop  }
0x7: {  	_ = 	snop  }
__scs_overlays_trampoline_lowered:
0x8: {  	[smem:$0x3FAC] =	sst s0  }
0x9: {  	[smem:$0x3FAD] =	sst s1  }
0xa: {  	[smem:$0x3FAE] =	sst s2  }
0xb: {  	[smem:$0x3FAF] =	sst s3  }
0xc: {  	[smem:$0x3FB0] =	sst s4  }
0xd: {  	[smem:$0x3FB1] =	sst s5  }
0xe: {  	[smem:$0x3FB2] =	sst s6  }
0xf: {  	[smem:$0x3FB3] =	sst s7  }
0x10: {  	[smem:$0x3FB4] =	sst s8  }
0x11: {  	[smem:$0x3FB5] =	sst s9;
	s0 =	simm.s32 @!p0 $0x0  }
0x12: {  	s1 =	sld [smem:$0x3F9B];
	s0 =	simm.s32 @p0 $0x1  }
0x13: {  	[smem:$0x3FB6] =	sst s0;
	s0 =	simm.s32 @!p1 $0x0  }
0x14: {  	s2 =	sld [smem:$0x3F9A];
	s0 =	simm.s32 @p1 $0x1  }
0x15: {  	[smem:$0x3FB7] =	sst s0;
	s0 =	simm.s32 @!p2 $0x0  }
0x16: {  	s3 =	sld [smem:$0x3FDB];
	s0 =	simm.s32 @p2 $0x1  }
0x17: {  	s4 =	simm.s32 $0x1BF5;
	[smem:$0x3FB9] =	sst s0  }
0x18: {  	s0 =	sld [smem:$0x3F9C];
	_ =	swait.ge [sflag:s4], $0x0  }
0x19: {  	s7 =	sld [smem:$0x3F9D]  }
0x1a: {  	s8 =	sadd.s32 $0xFFFFE003, lr  }
0x1b: {  	s9 =	sadd.s32 $0xFFFFFEF7, lr;
	s5 =	simm.s32 $0xFFFFFFFF;
	p2 =	slt.u32 s8, $0xFFFFF086  }
0x1c: {  	p1 =	slt.u32 s9, $0xF7A;
	s5 =	simm.s32 @!p2 $0x0  }
0x1d: {  	s5 =	simm.s32 @p1 $0x1;
	p0 =	seq.s32 s7, s2  }
0x1e: {  	s7 =	smul.u32 @!p0 $0xF7A, s2;
	p2 =	seq.s32 @!p0 s5, $0x0  }
0x1f: {  	s9 =	smul.u32 $0xF7A, s1;
	s8 =	simm.s32 @!p0 $0x1BF5;
	p2 =	por !p2, p0  }
0x20: {  	[sflag:s8] =	ssyncset.s32 @!p0 $0xFFFFF086;
	s6 =	sadd.s32 @!p0 s3, s7;
	s7 =	simm.s32 @!p0 $0x108  }
0x21: {  	s3 =	sadd.s32 s3, s9;
	s6 =	sadd.s32 @!p0 $0x88, s6;
	s7 =	simm.s32 @p2 $0x1082  }
0x22: {  	[simem:s7], [sflag:s8] =	dma.local @!p0 [hbm:s6], $0xF7A  }
0x23: {  	s9 =	sor.u32 $0xD0000000, s2;
	s6 =	simm.s32 $0x108;
	_ =	swait.ge @!p0 [sflag:s8], $0x0  }
0x24: {  	s3 =	sadd.s32 $0x88, s3;
	s6 =	simm.s32 @!p1 $0x1082;
	[sflag:s4] =	ssyncset.s32 $0xFFFFF086  }
0x25: {  	[simem:s6], [sflag:s4] =	dma.local [hbm:s3], $0xF7A  }
0x26: {  	[smem:$0x3F9D] =	sst s1;
	(tag) =	ssettag s2;
	_ =	strace s9  }
0x27: {  	s1 =	sld [smem:$0x3FAD]  }
0x28: {  	s2 =	sld [smem:$0x3FAE]  }
0x29: {  	s4 =	sld [smem:$0x3FB0]  }
0x2a: {  	p0 =	seq.s32 s5, $0x0;
	s5 =	sld [smem:$0x3FB1]  }
0x2b: {  	s6 =	sld [smem:$0x3FB2]  }
0x2c: {  	s7 =	sld [smem:$0x3FB3]  }
0x2d: {  	s3 =	simm.s32 $0x108;
	s8 =	sld [smem:$0x3FB4]  }
0x2e: {  	s3 =	simm.s32 @!p0 $0x1082;
	s9 =	sld [smem:$0x3FB5]  }
0x2f: {  	lr =	sadd.s32 s0, s3;
	s0 =	sld [smem:$0x3FAC]  }
0x30: {  	s3 =	sld [smem:$0x3FAF]  }
0x31: {  	[smem:$0x3FB8] =	sst s10  }
0x32: {  	s10 =	sld [smem:$0x3FB6];
	_ =	sdelay $0x3  }
0x33: {  	p0 =	seq.s32 s10, $0x1;
	s10 =	sld [smem:$0x3FB8];
	_ =	sdelay $0x3  }
0x34: {  	[smem:$0x3FB8] =	sst s10  }
0x35: {  	s10 =	sld [smem:$0x3FB7];
	_ =	sdelay $0x3  }
0x36: {  	p1 =	seq.s32 s10, $0x1;
	s10 =	sld [smem:$0x3FB8];
	_ =	sdelay $0x3  }
0x37: {  	[smem:$0x3FB8] =	sst s10  }
0x38: {  	s10 =	sld [smem:$0x3FB9]  }
0x39: {  	_ = 	snop;
	(pc) =	sbr.ind lr, $3  }
0x3a: {  	_ = 	snop  }
0x3b: {  	_ = 	snop  }
0x3c: {  	p2 =	seq.s32 s10, $0x1;
	s10 =	sld [smem:$0x3FB8]  }
0x3d: {  	_ =	shalt  }
0x3e: {  	_ =	shalt  }
0x3f: {  	_ =	shalt  }
0x40: {  	_ =	shalt  }
0x41: {  	_ =	shalt  }
0x42: {  	_ =	shalt  }
0x43: {  	_ =	shalt  }
0x44: {  	_ =	shalt  }
0x45: {  	_ =	shalt  }
0x46: {  	_ =	shalt  }
0x47: {  	_ =	shalt  }
0x48: {  	_ =	shalt  }
0x49: {  	_ =	shalt  }
0x4a: {  	_ =	shalt  }
0x4b: {  	_ =	shalt  }
0x4c: {  	_ =	shalt  }
0x4d: {  	_ =	shalt  }
0x4e: {  	_ =	shalt  }
0x4f: {  	_ =	shalt  }
0x50: {  	_ =	shalt  }
0x51: {  	_ =	shalt  }
0x52: {  	_ =	shalt  }
0x53: {  	_ =	shalt  }
0x54: {  	_ =	shalt  }
0x55: {  	_ =	shalt  }
0x56: {  	_ =	shalt  }
0x57: {  	_ =	shalt  }
0x58: {  	_ =	shalt  }
0x59: {  	_ =	shalt  }
0x5a: {  	_ =	shalt  }
0x5b: {  	_ =	shalt  }
0x5c: {  	_ =	shalt  }
0x5d: {  	_ =	shalt  }
0x5e: {  	_ =	shalt  }
0x5f: {  	_ =	shalt  }
0x60: {  	_ =	shalt  }
0x61: {  	_ =	shalt  }
0x62: {  	_ =	shalt  }
0x63: {  	_ =	shalt  }
0x64: {  	_ =	shalt  }
0x65: {  	_ =	shalt  }
0x66: {  	_ =	shalt  }
0x67: {  	_ =	shalt  }
0x68: {  	_ =	shalt  }
0x69: {  	_ =	shalt  }
0x6a: {  	_ =	shalt  }
0x6b: {  	_ =	shalt  }
0x6c: {  	_ =	shalt  }
0x6d: {  	_ =	shalt  }
0x6e: {  	_ =	shalt  }
0x6f: {  	_ =	shalt  }
0x70: {  	_ =	shalt  }
0x71: {  	_ =	shalt  }
0x72: {  	_ =	shalt  }
0x73: {  	_ =	shalt  }
0x74: {  	_ =	shalt  }
0x75: {  	_ =	shalt  }
0x76: {  	_ =	shalt  }
0x77: {  	_ =	shalt  }
0x78: {  	_ =	shalt  }
0x79: {  	_ =	shalt  }
0x7a: {  	_ =	shalt  }
0x7b: {  	_ =	shalt  }
0x7c: {  	_ =	shalt  }
0x7d: {  	_ =	shalt  }
0x7e: {  	_ =	shalt  }
0x7f: {  	_ =	shalt  }
0x80: {  	_ =	shalt  }
0x81: {  	_ =	shalt  }
0x82: {  	_ =	shalt  }
0x83: {  	_ =	shalt  }
0x84: {  	_ =	shalt  }
0x85: {  	_ =	shalt  }
0x86: {  	_ =	shalt  }
0x87: {  	_ =	shalt  }
.Lfunc_end0:
.L_simem_size_0:
called_computation.3_lowered:
.L_overlay_start_0:
0x88: {  	s2 =	sld [smem:$0x3FD9]  }
0x89: {  	s3 =	sld [smem:$0x3FFE];
	_ =	sdelay $0x1  }
0x8a: {  	s1 =	srdreg.scid  }
0x8b: {  	s0 =	sand.u32 $0x1, s1  }
0x8c: {  	s17 =	sshll.u32 s0, $0xA;
	s2 =	sadd.s32 s3, s2  }
0x8d: {  	s2 =	sadd.s32 s2, s17  }
0x8e: {  	[smem:$0x3FC4] =	sst s2  }
0x8f: {  	_ = 	snop  }
0x90: {  	s2 =	sld [smem:$0x3FD0];
	(tm) =	ssettm $0x1  }
0x91: {  	s18 =	sld [smem:$0x3FFB];
	_ =	sdelay $0x3  }
0x92: {  	_ =	strace s18  }
0x93: {  	s3 =	sld [smem:$0x3FFC];
	_ =	sdelay $0x3  }
0x94: {  	_ =	strace s3  }
0x95: {  	s3 =	sld [smem:$0x3FFD];
	_ =	sdelay $0x3  }
0x96: {  	_ =	strace s3  }
0x97: {  	_ =	strace $0x8FFFFFFF  }
0x98: {  	s19 =	sld [smem:$0x3FDB];
	_ =	sdelay $0x1  }
0x99: {  	s4 =	simm.s32 $_scs_section_size  }
0x9a: {  	s5 =	simm.s32 $_size__tile_overlayer_lowered;
	s6 =	simm.s32 $_tile_overlayer_lowered  }
0x9b: {  	s22 =	simm.s32 $0x1BFF;
	s21 =	sshll.u32 s6, $0x1;
	s3 =	sadd.s32 s4, s19  }
0x9c: {  	s7 =	simm.s32 $0x0;
	s20 =	sshll.u32 s5, $0x1;
	s5 =	sadd.s32 s21, s3  }
0x9d: {  	[timem:s7], [sflag:s22] =	dma.local [hbm:s5], s20  }
0x9e: {  	_ =	swait.ge [sflag:s22], s20  }
0x9f: {  	s4 =	ssub.s32 $0x0, s20;
	[sflag:s22] =	ssyncset.done $0x0  }
0xa0: {  	[sflag:s22] =	ssyncadd.s32 s4;
	_ =	sdelay $0x1  }
0xa1: {  	s23 =	simm.s32 $0x1B8B  }
0xa2: {  	_ =	swait.ge [sflag:s23], $0x1  }
0xa3: {  	[sflag:s23] =	ssyncset.done $0x0  }
0xa4: {  	s25 =	simm.s32 $0x1B8E;
	s24 =	sld [smem:$0x3FFE];
	[sflag:s23] =	ssyncadd.s32 $0xFFFFFFFF  }
0xa5: {  	s26 =	simm.s32 $execute0_lowered;
	[smem:$0x3FD2] =	sst s25  }
0xa6: {  	s5 =	sshll.u32 s26, $0x1;
	_ =	strace $0x8000004F;
	[dreg:$0x1] =	wrdreg $0xFFFFFFFF  }
0xa7: {  	s28 =	simm.s32 $_size_execute0_lowered;
	s3 =	sadd.s32 s3, s5;
	[dreg:$0x0] =	wrdreg $0x0  }
0xa8: {  	s5 =	sshll.u32 s28, $0x1;
	[dreg:$0x2] =	wrdreg s3  }
0xa9: {  	[dreg:$0x3] =	wrdreg s5  }
0xaa: {  	[dreg:$0x4] =	wrdreg $0xC0  }
0xab: {  	_ =	task [dreg:s7], $0x5FFFF  }
0xac: {  	[dreg:$0x1] =	wrdreg $0xFFFFFFFF  }
0xad: {  	[dreg:$0x0] =	wrdreg $0x60  }
0xae: {  	[dreg:$0x2] =	wrdreg s24  }
0xaf: {  	[dreg:$0x3] =	wrdreg s2  }
0xb0: {  	[dreg:$0x4] =	wrdreg $0x68000  }
0xb1: {  	[dreg:$0x5] =	wrdreg $0x9  }
0xb2: {  	_ =	task.clear_ibuf [dreg:s7], $0x6FFFF;
	_ =	strace $0x9000004F  }
0xb3: {  	s29 =	simm.s32 $0x9;
	_ =	strace $0x80000051  }
0xb4: {  	_ =	swait.ge [sflag:s29], $0x1  }
0xb5: {  	[sflag:s29] =	ssyncadd.s32 $0xFFFFFFFF  }
0xb6: {  	_ =	strace $0x90000051  }
0xb7: {  	_ =	sfence  }
0xb8: {  	s30 =	sld [smem:$0x0];
	_ =	sdelay $0x2  }
0xb9: {  	s31 =	sshll.u32 s1, $0xD;
	s1 =	sshrl.u32 s1, $0x2  }
0xba: {  	s3 =	sand.u32 $0x4000, s31;
	s1 =	sadd.s32 s1, s30  }
0xbb: {  	s0 =	sor.u32 s3, s0;
	s1 =	sshll.u32 s1, $0x11  }
0xbc: {  	s0 =	sor.u32 s1, s0  }
0xbd: {  	s0 =	sadd.s32 $0x8F2B, s0  }
0xbe: {  	[sflag:s0] =	ssyncadd.remote.s32 $0x1  }
0xbf: {  	_ =	sfence.sel $0xFFFF  }
0xc0: {  	[dreg:$0x0] =	wrdreg $0xFFFFFFFF;
	(pc) =	sbr.abs _section_cstart, $3  }
0xc1: {  	[dreg:$0x1] =	wrdreg $0xFFFFFFFF  }
0xc2: {  	_ =	task.clear_ibuf [dreg:s7], $0x2FFFF;
	_ =	strace $0x9FFFFFFF  }
0xc3: {  	(tm) =	ssettm $0x7FFFFFFF  }
tec
execute0_lowered:
.L_overlay_start_1:
0x0: {  	(tag) =	ssettag $0x1  }
0x1: {  	s4 =	rddreg [dreg:$0x0]  }
0x2: {  	s6 =	rddreg [dreg:$0x1]  }
0x3: {  	s1 =	rddreg [dreg:$0x2]  }
0x4: {  	s3 =	srdreg.scid;
	s0 =	rddreg [dreg:$0x3];
	s2 =	simm.s32 $0x0  }
0x5: {  	s16 =	simm.s32 $0x5400;
	s17 =	simm.s32 $0x2;
	s7 =	sand.u32 $0x1, s3  }
0x6: {  	s18 =	simm.s32 $0x3E00;
	s3 =	stileid.u32;
	s5 =	smul.u32 $0x27800, s7  }
0x7: {  	[smem:$0x7FF] =	sst s2;
	s8 =	sadd.s32 $0xA04200, s4;
	s23 =	smul.u32 $0x4F000, s3  }
0x8: {  	_ =	strace $0x80000050;
	s22 =	ssub.s32 $0x2, s7;
	s19 =	smul.u32 $0x2780, s3  }
0x9: {  	s11 =	sshll.u32 s3, $0x1;
	s26 =	sshll.u32 s3, $0x6;
	s15 =	smul.u32 $0x27100, s3  }
0xa: {  	s29 =	smul.u32 $0x13880, s7;
	s10 =	sshrl.u32 s22, $0x1;
	s11 =	sor.u32 s7, s11  }
0xb: {  	s9 =	sadd.s32 s5, s4;
	s10 =	ssub.s32 s22, s10;
	s13 =	smul.u32 $0x13880, s11  }
0xc: {  	s24 =	sshrl.u32 s23, $0x2;
	s14 =	smul.u32 $0x9C400, s11;
	s5 =	sor.u32 $0x1C03, s26  }
0xd: {  	s11 =	sshll.u32 s11, $0xB;
	s30 =	sadd.s32 s15, s8;
	s15 =	simm.s32 $0x28  }
0xe: {  	s12 =	sadd.s32 s24, s1;
	s25 =	sadd.s32 s19, s9;
	s6 =	sadd.s32 s6, s11  }
0xf: {  	s20 =	sadd.s32 $0x5B0200, s9;
	s31 =	sadd.s32 s29, s30;
	s9 =	smax.u32 s10, $0x1  }
0x10: {  	s4 =	sadd.s32 $0x561200, s25;
	s28 =	sshrl.u32 s14, $0x3;
	s7 =	sadd.s32 s8, s13  }
0x11: {  	s10 =	sadd.s32 $0x500, s31;
	s13 =	simm.s32 $0x4000;
	s14 =	simm.s32 $0x1  }
0x12: {  	s19 =	sadd.s32 s19, s20;
	s20 =	simm.s32 $0x0;
	s11 =	sadd.s32 s8, s28  }
0x13: {  	s8 =	sadd.s32 $0x280, s11;
	s11 =	sshrl.u32 s12, $0x3;
	s12 =	simm.s32 $0x3  }
.LBB2_1:
0x14: {  	[spmem:s11], [sflag:s5] =	dma.local [hbm:s4], $0x2780  }
0x15: {  	_ =	swait.ge [sflag:s12], $0x2780  }
0x16: {  	[sflag:s12] =	ssyncset.done $0x0  }
0x17: {  	[sflag:s12] =	ssyncadd.s32 $0xFFFFD880  }
0x18: {  	[tilespmem:s2], [sflag:$0x3] =	stream.linear.gather [hbm4b:s6+s2], $0x3E80, $0x38;
	[tilespmem:$0x1A400] =	vst v63  }
0x19: {  	_ =	swait.ge [sflag:s12], $0x3E80  }
0x1a: {  	[sflag:s12] =	ssyncset.done $0x0  }
0x1b: {  	[sflag:s12] =	ssyncadd.s32 $0xFFFFC180  }
0x1c: {  	[bflag:$0x0] =	sbarrier.arrive $0xFFFF  }
0x1d: {  	[tilespmem:s13], [sflag:$0x1] =	stream.linear.gather [hbm4b:s7+s2], $0x1400, $0x38;
	[tilespmem:$0x1A400] =	vst v63  }
0x1e: {  	_ =	swait.ge [sflag:s14], $0x1400  }
0x1f: {  	[sflag:s14] =	ssyncset.done $0x0  }
0x20: {  	[sflag:s14] =	ssyncadd.s32 $0xFFFFEC00  }
0x21: {  	[spmem:s1] =	stream.indirect.scatter.add.f32 [tilespmem:s13], [sflag:$0x2], $0x80, s2, s15, $0xb8;
	[tilespmem:$0x1A400] =	vst v63  }
0x22: {  	_ = 	snop  }
0x23: {  	[tilespmem:s16], [sflag:$0x1] =	stream.linear.gather [hbm4b:s8+s2], $0x1400, $0x38;
	[tilespmem:$0x1A400] =	vst v63  }
0x24: {  	s21 =	sand.u32 $0x1, s17;
	_ =	swait.ge [sflag:s14], $0x1400  }
0x25: {  	p0 =	seq.s32 s21, $0x1;
	s21 =	simm.s32 $0x4000;
	[sflag:s14] =	ssyncset.done $0x0  }
0x26: {  	s22 =	simm.s32 $0x80;
	s21 =	simm.s32 @!p0 $0x5400;
	[sflag:s14] =	ssyncadd.s32 $0xFFFFEC00  }
0x27: {  	[spmem:s1] =	stream.indirect.scatter.add.f32 [tilespmem:s21], [sflag:$0x2], $0x80, s22, s15, $0xb8;
	[tilespmem:$0x1A400] =	vst v63  }
0x28: {  	s25 =	simm.s32 $0x5400;
	s23 =	sadd.s32 $0x280, s10;
	_ =	swait.ge [sflag:s17], $0x1400  }
0x29: {  	s24 =	smov.u32 s10;
	s25 =	simm.s32 @!p0 $0x4000;
	[sflag:s17] =	ssyncset.done $0x0  }
0x2a: {  	s21 =	simm.s32 $0x3;
	s22 =	simm.s32 $0x100;
	[sflag:s17] =	ssyncadd.s32 $0xFFFFEC00  }
.LBB2_2:
0x2b: {  	[tilespmem:s25], [sflag:$0x1] =	stream.linear.gather [hbm4b:s24+s2], $0x1400, $0x38;
	[tilespmem:$0x1A400] =	vst v63  }
0x2c: {  	s24 =	sand.u32 $0x1, s21  }
0x2d: {  	p0 =	sne.s32 s21, $0x7C;
	s21 =	sadd.s32 $0x1, s21;
	_ =	swait.ge [sflag:s14], $0x1400  }
0x2e: {  	p1 =	seq.s32 s24, $0x1;
	s24 =	simm.s32 $0x4000;
	[sflag:s14] =	ssyncset.done $0x0  }
.Ltmp0:
0x2f: {  	s24 =	simm.s32 @!p1 $0x5400;
	[sflag:s14] =	ssyncadd.s32 $0xFFFFEC00;
	(pc) =	sbr.rel @p0 .LBB2_2-.Ltmp0, $4  }
0x30: {  	[spmem:s1] =	stream.indirect.scatter.add.f32 [tilespmem:s24], [sflag:$0x2], $0x80, s22, s15, $0xb8;
	[tilespmem:$0x1A400] =	vst v63  }
0x31: {  	s24 =	smov.u32 s23;
	_ =	swait.ge [sflag:s17], $0x1400  }
0x32: {  	s25 =	simm.s32 $0x5400;
	s22 =	sadd.s32 $0x80, s22;
	[sflag:s17] =	ssyncset.done $0x0  }
0x33: {  	s25 =	simm.s32 @!p1 $0x4000;
	s23 =	sadd.s32 $0x280, s23;
	[sflag:s17] =	ssyncadd.s32 $0xFFFFEC00  }
0x34: {  	[tilespmem:s25], [sflag:$0x1] =	stream.linear.gather [hbm4b:s24+s2], $0x1400, $0x38;
	[tilespmem:$0x1A400] =	vst v63  }
0x35: {  	_ =	swait.ge [sflag:s14], $0x1400  }
0x36: {  	[sflag:s14] =	ssyncset.done $0x0  }
0x37: {  	[sflag:s14] =	ssyncadd.s32 $0xFFFFEC00  }
0x38: {  	[spmem:s1] =	stream.indirect.scatter.add.f32 [tilespmem:s13], [sflag:$0x2], $0x80, s18, s15, $0xb8;
	[tilespmem:$0x1A400] =	vst v63  }
0x39: {  	_ =	swait.ge [sflag:s17], $0x1400  }
0x3a: {  	[sflag:s17] =	ssyncset.done $0x0  }
0x3b: {  	[sflag:s17] =	ssyncadd.s32 $0xFFFFEC00  }
0x3c: {  	_ =	swait.ge [sflag:s17], $0x1400  }
0x3d: {  	s20 =	sadd.s32 $0x1, s20;
	[sflag:s17] =	ssyncset.done $0x0  }
0x3e: {  	p0 =	sne.s32 s20, s9;
	[sflag:s17] =	ssyncadd.s32 $0xFFFFEC00  }
.Ltmp1:
0x3f: {  	[bflag:$0x0] =	sbarrier.arrive $0xFFFF;
	(pc) =	sbr.rel @p0 .LBB2_1-.Ltmp1, $4  }
0x40: {  	[hbm:s19], [sflag:s5] =	dma.local [spmem:s11], $0x2780  }
0x41: {  	_ =	swait.ge [sflag:s12], $0x2780  }
0x42: {  	[sflag:s12] =	ssyncset.done $0x0  }
0x43: {  	[sflag:s12] =	ssyncadd.s32 $0xFFFFD880  }
0x44: {  	_ =	sfence.sel $0x180000  }
0x45: {  	[bflag:$0x0] =	sbarrier.arrive $0xFFFF  }
0x46: {  	p0 =	sne.s32 s3, $0x0;
	_ =	strace $0x90000050  }
0x47: {  	s0 =	sadd.s32 @!p0 $0x100000, s0;
	[bflag:$0x2] =	sbarrier.arrive $0xFFFF  }
0x48: {  	[sflag:s0] =	ssyncadd.tile.s32 @!p0 $0x1;
	_ =	shalt  }
.Lfunc_end2:
_tile_overlayer_lowered:
.L_overlay_start_2:
0x49: {  	(tag) =	ssettag $0x2  }
0x4a: {  	s0 =	rddreg [dreg:$0x0];
	s2 =	stileid.u32  }
0x4b: {  	s1 =	rddreg [dreg:$0x1];
	p0 =	sne.s32 s2, $0x0  }
0x4c: {  	s3 =	rddreg [dreg:$0x2];
	[bflag:$0x3] =	sbarrier.arrive $0xFFFF;
	s2 =	simm.s32 @!p0 $0x1C03  }
0x4d: {  	[timem:s3], [sflag:s2] =	dma.local @!p0 [hbm:s0], s1  }
0x4e: {  	s0 =	simm.s32 @!p0 $0x3  }
0x4f: {  	_ =	swait.ge @!p0 [sflag:s0], s1  }
0x50: {  	s1 =	ssub.s32 @!p0 $0x0, s1;
	[sflag:s0] =	ssyncset.done @!p0 $0x0  }
0x51: {  	[sflag:s0] =	ssyncadd.s32 @!p0 s1  }
0x52: {  	[bflag:$0x3] =	sbarrier.arrive $0xFFFF  }
0x53: {  	_ =	shalt  }

// kernel: kernel.9.cloned.1.call-start
scs
__scs_entry_jumppad:
0x0: {  	(pc) =	sbr.rel $0x88, $3  }
0x1: {  	(tag) =	ssettag $0x0;
	lr =	simm.s32 $0x1  }
0x2: {  	[smem:$0x3F9D] =	sst lr;
	_ =	strace $0xD0000000  }
0x3: {  	_ = 	snop  }
0x4: {  	_ = 	snop  }
0x5: {  	_ = 	snop  }
0x6: {  	_ = 	snop  }
0x7: {  	_ = 	snop  }
__scs_overlays_trampoline_lowered:
0x8: {  	[smem:$0x3FAC] =	sst s0  }
0x9: {  	[smem:$0x3FAD] =	sst s1  }
0xa: {  	[smem:$0x3FAE] =	sst s2  }
0xb: {  	[smem:$0x3FAF] =	sst s3  }
0xc: {  	[smem:$0x3FB0] =	sst s4  }
0xd: {  	[smem:$0x3FB1] =	sst s5  }
0xe: {  	[smem:$0x3FB2] =	sst s6  }
0xf: {  	[smem:$0x3FB3] =	sst s7  }
0x10: {  	[smem:$0x3FB4] =	sst s8  }
0x11: {  	[smem:$0x3FB5] =	sst s9;
	s0 =	simm.s32 @!p0 $0x0  }
0x12: {  	s1 =	sld [smem:$0x3F9B];
	s0 =	simm.s32 @p0 $0x1  }
0x13: {  	[smem:$0x3FB6] =	sst s0;
	s0 =	simm.s32 @!p1 $0x0  }
0x14: {  	s2 =	sld [smem:$0x3F9A];
	s0 =	simm.s32 @p1 $0x1  }
0x15: {  	[smem:$0x3FB7] =	sst s0;
	s0 =	simm.s32 @!p2 $0x0  }
0x16: {  	s3 =	sld [smem:$0x3FDB];
	s0 =	simm.s32 @p2 $0x1  }
0x17: {  	s4 =	simm.s32 $0x1BF5;
	[smem:$0x3FB9] =	sst s0  }
0x18: {  	s0 =	sld [smem:$0x3F9C];
	_ =	swait.ge [sflag:s4], $0x0  }
0x19: {  	s7 =	sld [smem:$0x3F9D]  }
0x1a: {  	s8 =	sadd.s32 $0xFFFFE003, lr  }
0x1b: {  	s9 =	sadd.s32 $0xFFFFFEF7, lr;
	s5 =	simm.s32 $0xFFFFFFFF;
	p2 =	slt.u32 s8, $0xFFFFF086  }
0x1c: {  	p1 =	slt.u32 s9, $0xF7A;
	s5 =	simm.s32 @!p2 $0x0  }
0x1d: {  	s5 =	simm.s32 @p1 $0x1;
	p0 =	seq.s32 s7, s2  }
0x1e: {  	s7 =	smul.u32 @!p0 $0xF7A, s2;
	p2 =	seq.s32 @!p0 s5, $0x0  }
0x1f: {  	s9 =	smul.u32 $0xF7A, s1;
	s8 =	simm.s32 @!p0 $0x1BF5;
	p2 =	por !p2, p0  }
0x20: {  	[sflag:s8] =	ssyncset.s32 @!p0 $0xFFFFF086;
	s6 =	sadd.s32 @!p0 s3, s7;
	s7 =	simm.s32 @!p0 $0x108  }
0x21: {  	s3 =	sadd.s32 s3, s9;
	s6 =	sadd.s32 @!p0 $0x88, s6;
	s7 =	simm.s32 @p2 $0x1082  }
0x22: {  	[simem:s7], [sflag:s8] =	dma.local @!p0 [hbm:s6], $0xF7A  }
0x23: {  	s9 =	sor.u32 $0xD0000000, s2;
	s6 =	simm.s32 $0x108;
	_ =	swait.ge @!p0 [sflag:s8], $0x0  }
0x24: {  	s3 =	sadd.s32 $0x88, s3;
	s6 =	simm.s32 @!p1 $0x1082;
	[sflag:s4] =	ssyncset.s32 $0xFFFFF086  }
0x25: {  	[simem:s6], [sflag:s4] =	dma.local [hbm:s3], $0xF7A  }
0x26: {  	[smem:$0x3F9D] =	sst s1;
	(tag) =	ssettag s2;
	_ =	strace s9  }
0x27: {  	s1 =	sld [smem:$0x3FAD]  }
0x28: {  	s2 =	sld [smem:$0x3FAE]  }
0x29: {  	s4 =	sld [smem:$0x3FB0]  }
0x2a: {  	p0 =	seq.s32 s5, $0x0;
	s5 =	sld [smem:$0x3FB1]  }
0x2b: {  	s6 =	sld [smem:$0x3FB2]  }
0x2c: {  	s7 =	sld [smem:$0x3FB3]  }
0x2d: {  	s3 =	simm.s32 $0x108;
	s8 =	sld [smem:$0x3FB4]  }
0x2e: {  	s3 =	simm.s32 @!p0 $0x1082;
	s9 =	sld [smem:$0x3FB5]  }
0x2f: {  	lr =	sadd.s32 s0, s3;
	s0 =	sld [smem:$0x3FAC]  }
0x30: {  	s3 =	sld [smem:$0x3FAF]  }
0x31: {  	[smem:$0x3FB8] =	sst s10  }
0x32: {  	s10 =	sld [smem:$0x3FB6];
	_ =	sdelay $0x3  }
0x33: {  	p0 =	seq.s32 s10, $0x1;
	s10 =	sld [smem:$0x3FB8];
	_ =	sdelay $0x3  }
0x34: {  	[smem:$0x3FB8] =	sst s10  }
0x35: {  	s10 =	sld [smem:$0x3FB7];
	_ =	sdelay $0x3  }
0x36: {  	p1 =	seq.s32 s10, $0x1;
	s10 =	sld [smem:$0x3FB8];
	_ =	sdelay $0x3  }
0x37: {  	[smem:$0x3FB8] =	sst s10  }
0x38: {  	s10 =	sld [smem:$0x3FB9]  }
0x39: {  	_ = 	snop;
	(pc) =	sbr.ind lr, $3  }
0x3a: {  	_ = 	snop  }
0x3b: {  	_ = 	snop  }
0x3c: {  	p2 =	seq.s32 s10, $0x1;
	s10 =	sld [smem:$0x3FB8]  }
0x3d: {  	_ =	shalt  }
0x3e: {  	_ =	shalt  }
0x3f: {  	_ =	shalt  }
0x40: {  	_ =	shalt  }
0x41: {  	_ =	shalt  }
0x42: {  	_ =	shalt  }
0x43: {  	_ =	shalt  }
0x44: {  	_ =	shalt  }
0x45: {  	_ =	shalt  }
0x46: {  	_ =	shalt  }
0x47: {  	_ =	shalt  }
0x48: {  	_ =	shalt  }
0x49: {  	_ =	shalt  }
0x4a: {  	_ =	shalt  }
0x4b: {  	_ =	shalt  }
0x4c: {  	_ =	shalt  }
0x4d: {  	_ =	shalt  }
0x4e: {  	_ =	shalt  }
0x4f: {  	_ =	shalt  }
0x50: {  	_ =	shalt  }
0x51: {  	_ =	shalt  }
0x52: {  	_ =	shalt  }
0x53: {  	_ =	shalt  }
0x54: {  	_ =	shalt  }
0x55: {  	_ =	shalt  }
0x56: {  	_ =	shalt  }
0x57: {  	_ =	shalt  }
0x58: {  	_ =	shalt  }
0x59: {  	_ =	shalt  }
0x5a: {  	_ =	shalt  }
0x5b: {  	_ =	shalt  }
0x5c: {  	_ =	shalt  }
0x5d: {  	_ =	shalt  }
0x5e: {  	_ =	shalt  }
0x5f: {  	_ =	shalt  }
0x60: {  	_ =	shalt  }
0x61: {  	_ =	shalt  }
0x62: {  	_ =	shalt  }
0x63: {  	_ =	shalt  }
0x64: {  	_ =	shalt  }
0x65: {  	_ =	shalt  }
0x66: {  	_ =	shalt  }
0x67: {  	_ =	shalt  }
0x68: {  	_ =	shalt  }
0x69: {  	_ =	shalt  }
0x6a: {  	_ =	shalt  }
0x6b: {  	_ =	shalt  }
0x6c: {  	_ =	shalt  }
0x6d: {  	_ =	shalt  }
0x6e: {  	_ =	shalt  }
0x6f: {  	_ =	shalt  }
0x70: {  	_ =	shalt  }
0x71: {  	_ =	shalt  }
0x72: {  	_ =	shalt  }
0x73: {  	_ =	shalt  }
0x74: {  	_ =	shalt  }
0x75: {  	_ =	shalt  }
0x76: {  	_ =	shalt  }
0x77: {  	_ =	shalt  }
0x78: {  	_ =	shalt  }
0x79: {  	_ =	shalt  }
0x7a: {  	_ =	shalt  }
0x7b: {  	_ =	shalt  }
0x7c: {  	_ =	shalt  }
0x7d: {  	_ =	shalt  }
0x7e: {  	_ =	shalt  }
0x7f: {  	_ =	shalt  }
0x80: {  	_ =	shalt  }
0x81: {  	_ =	shalt  }
0x82: {  	_ =	shalt  }
0x83: {  	_ =	shalt  }
0x84: {  	_ =	shalt  }
0x85: {  	_ =	shalt  }
0x86: {  	_ =	shalt  }
0x87: {  	_ =	shalt  }
.Lfunc_end0:
.L_simem_size_0:
called_computation_lowered:
.L_overlay_start_0:
0x88: {  	s2 =	sld [smem:$0x3FD9]  }
0x89: {  	s3 =	sld [smem:$0x3FFE];
	_ =	sdelay $0x1  }
0x8a: {  	s1 =	srdreg.scid  }
0x8b: {  	s0 =	sand.u32 $0x1, s1  }
0x8c: {  	s17 =	sshll.u32 s0, $0xA;
	s2 =	sadd.s32 s3, s2  }
0x8d: {  	s2 =	sadd.s32 s2, s17  }
0x8e: {  	[smem:$0x3FC4] =	sst s2  }
0x8f: {  	_ = 	snop  }
0x90: {  	s2 =	sld [smem:$0x3FC9];
	(tm) =	ssettm $0x1  }
0x91: {  	s18 =	sld [smem:$0x3FFB];
	_ =	sdelay $0x3  }
0x92: {  	_ =	strace s18  }
0x93: {  	s3 =	sld [smem:$0x3FFC];
	_ =	sdelay $0x3  }
0x94: {  	_ =	strace s3  }
0x95: {  	s3 =	sld [smem:$0x3FFD];
	_ =	sdelay $0x3  }
0x96: {  	_ =	strace s3  }
0x97: {  	_ =	strace $0x8FFFFFFF  }
0x98: {  	s19 =	sld [smem:$0x3FDB];
	_ =	sdelay $0x1  }
0x99: {  	s4 =	simm.s32 $_scs_section_size  }
0x9a: {  	s5 =	simm.s32 $_size__tile_overlayer_lowered;
	s6 =	simm.s32 $_tile_overlayer_lowered  }
0x9b: {  	s22 =	simm.s32 $0x1BFF;
	s21 =	sshll.u32 s6, $0x1;
	s3 =	sadd.s32 s4, s19  }
0x9c: {  	s7 =	simm.s32 $0x0;
	s20 =	sshll.u32 s5, $0x1;
	s5 =	sadd.s32 s21, s3  }
0x9d: {  	[timem:s7], [sflag:s22] =	dma.local [hbm:s5], s20  }
0x9e: {  	_ =	swait.ge [sflag:s22], s20  }
0x9f: {  	s4 =	ssub.s32 $0x0, s20;
	[sflag:s22] =	ssyncset.done $0x0  }
0xa0: {  	[sflag:s22] =	ssyncadd.s32 s4;
	_ =	sdelay $0x1  }
0xa1: {  	s23 =	simm.s32 $0x1B8B  }
0xa2: {  	_ =	swait.ge [sflag:s23], $0x1  }
0xa3: {  	[sflag:s23] =	ssyncset.done $0x0  }
0xa4: {  	s25 =	simm.s32 $0x1B8E;
	s24 =	sld [smem:$0x3FFE];
	[sflag:s23] =	ssyncadd.s32 $0xFFFFFFFF  }
0xa5: {  	s26 =	simm.s32 $execute0_lowered;
	[smem:$0x3FD2] =	sst s25  }
0xa6: {  	s5 =	sshll.u32 s26, $0x1;
	_ =	strace $0x80000046;
	[dreg:$0x1] =	wrdreg $0xFFFFFFFF  }
0xa7: {  	s28 =	simm.s32 $_size_execute0_lowered;
	s3 =	sadd.s32 s3, s5;
	[dreg:$0x0] =	wrdreg $0x0  }
0xa8: {  	s5 =	sshll.u32 s28, $0x1;
	[dreg:$0x2] =	wrdreg s3  }
0xa9: {  	[dreg:$0x3] =	wrdreg s5  }
0xaa: {  	[dreg:$0x4] =	wrdreg $0xC0  }
0xab: {  	_ =	task [dreg:s7], $0x5FFFF  }
0xac: {  	[dreg:$0x1] =	wrdreg $0xFFFFFFFF  }
0xad: {  	[dreg:$0x0] =	wrdreg $0x60  }
0xae: {  	[dreg:$0x2] =	wrdreg s2  }
0xaf: {  	[dreg:$0x3] =	wrdreg s24  }
0xb0: {  	[dreg:$0x4] =	wrdreg $0xA  }
0xb1: {  	_ =	task.clear_ibuf [dreg:s7], $0x5FFFF;
	_ =	strace $0x90000046  }
0xb2: {  	s29 =	simm.s32 $0xA;
	_ =	strace $0x80000048  }
0xb3: {  	_ =	swait.ge [sflag:s29], $0x1  }
0xb4: {  	[sflag:s29] =	ssyncadd.s32 $0xFFFFFFFF  }
0xb5: {  	_ =	strace $0x90000048  }
0xb6: {  	_ =	sfence  }
0xb7: {  	s30 =	sld [smem:$0x0];
	_ =	sdelay $0x2  }
0xb8: {  	s31 =	sshll.u32 s1, $0xD;
	s1 =	sshrl.u32 s1, $0x2  }
0xb9: {  	s3 =	sand.u32 $0x4000, s31;
	s1 =	sadd.s32 s1, s30  }
0xba: {  	s0 =	sor.u32 s3, s0;
	s1 =	sshll.u32 s1, $0x11  }
0xbb: {  	s0 =	sor.u32 s1, s0  }
0xbc: {  	s0 =	sadd.s32 $0x8F2B, s0  }
0xbd: {  	[sflag:s0] =	ssyncadd.remote.s32 $0x1  }
0xbe: {  	_ =	sfence.sel $0xFFFF  }
0xbf: {  	[dreg:$0x0] =	wrdreg $0xFFFFFFFF;
	(pc) =	sbr.abs _section_cstart, $3  }
0xc0: {  	[dreg:$0x1] =	wrdreg $0xFFFFFFFF  }
0xc1: {  	_ =	task.clear_ibuf [dreg:s7], $0x2FFFF;
	_ =	strace $0x9FFFFFFF  }
0xc2: {  	(tm) =	ssettm $0x7FFFFFFF  }
0xc3: {  	_ =	shalt  }
tec
execute0_lowered:
.L_overlay_start_1:
0x0: {  	(tag) =	ssettag $0x1  }
0x1: {  	s1 =	rddreg [dreg:$0x0]  }
0x2: {  	s4 =	rddreg [dreg:$0x1];
	s3 =	simm.s32 $0x0;
	s5 =	srdreg.scid  }
0x3: {  	s2 =	stileid.u32;
	s10 =	simm.s32 $0x80;
	s11 =	simm.s32 $0x5400  }
0x4: {  	s12 =	simm.s32 $0x100;
	s13 =	simm.s32 $0x6800;
	s14 =	simm.s32 $0x180  }
0x5: {  	s15 =	simm.s32 $0x7C00;
	s16 =	simm.s32 $0x1;
	s17 =	simm.s32 $0x2  }
0x6: {  	s18 =	simm.s32 $0x0;
	[smem:$0x7FF] =	sst s3;
	s5 =	sand.u32 $0x1, s5  }
0x7: {  	s6 =	sshll.u32 s2, $0xC;
	s7 =	smul.u32 $0x27100, s2;
	_ =	strace $0x80000047  }
0x8: {  	s8 =	sshll.u32 s5, $0xB;
	s9 =	ssub.s32 $0x2, s5;
	s5 =	smul.u32 $0x13880, s5  }
0x9: {  	s6 =	sor.u32 s8, s6;
	s7 =	sadd.s32 s7, s4;
	s30 =	sshrl.u32 s9, $0x1  }
0xa: {  	s8 =	simm.s32 $0x28;
	s4 =	sadd.s32 s6, s4;
	s31 =	ssub.s32 s9, s30  }
0xb: {  	s7 =	sadd.s32 s5, s7;
	s9 =	simm.s32 $0x4000;
	s4 =	sadd.s32 $0x6400, s4  }
0xc: {  	s5 =	smax.u32 s31, $0x1;
	s6 =	sadd.s32 $0x16400, s7;
	s7 =	simm.s32 $0x3  }
.LBB2_1:
0xd: {  	[tilespmem:s3], [sflag:$0x3] =	stream.linear.gather [hbm4b:s4+s3], $0x3E80, $0x38;
	[tilespmem:$0xA400] =	vst v63  }
0xe: {  	s19 =	simm.s32 $0x0  }
0xf: {  	_ =	swait.ge [sflag:s7], $0x3E80;
	s19 =	smul.u32 $0xCD, s19  }
0x10: {  	[sflag:s7] =	ssyncset.done $0x0  }
0x11: {  	[sflag:s7] =	ssyncadd.s32 $0xFFFFC180;
	s19 =	sshrl.u32 s19, $0xA  }
0x12: {  	[tilespmem:s9], [sflag:$0x1] =	stream.indirect.gather [hbm4b:s1+s8], $0x80, s3, s8, $0xb8;
	[tilespmem:$0xA400] =	vst v63  }
0x13: {  	s19 =	sand.u32 $0x3F, s19  }
0x14: {  	s19 =	smul.u32 $0x5, s19  }
0x15: {  	[tilespmem:s11], [sflag:$0x1] =	stream.indirect.gather [hbm4b:s1+s8], $0x80, s10, s8, $0xb8;
	[tilespmem:$0xA400] =	vst v63  }
0x16: {  	s20 =	simm.s32 $0x4;
	p0 =	por $0x1, $0x1;
	s19 =	ssub.s32 $0x0, s19  }
0x17: {  	[tilespmem:s13], [sflag:$0x1] =	stream.indirect.gather [hbm4b:s1+s8], $0x80, s12, s8, $0xb8;
	[tilespmem:$0xA400] =	vst v63  }
0x18: {  	s20 =	smul.u32 @!p0 $0xCD, s20;
	s19 =	sand.u32 $0xFF, s19  }
0x19: {  	p1 =	por @p0 $0x0, $0x0;
	s21 =	smul.u32 $0x5000, s19  }
0x1a: {  	[tilespmem:s15], [sflag:$0x1] =	stream.indirect.gather [hbm4b:s1+s8], $0x80, s14, s8, $0xb8;
	[tilespmem:$0xA400] =	vst v63  }
0x1b: {  	p1 =	por p1, !p0;
	s20 =	sshrl.u32 @!p0 s20, $0xA;
	_ =	swait.ge [sflag:s16], $0x1400  }
0x1c: {  	s20 =	sand.u32 @!p0 $0x3F, s20;
	s21 =	sshrl.u32 s21, $0x2;
	[sflag:s16] =	ssyncset.done $0x0  }
0x1d: {  	s20 =	smul.u32 @!p0 $0x5, s20;
	s21 =	sadd.s32 $0x4000, s21;
	[sflag:s16] =	ssyncadd.s32 $0xFFFFEC00  }
0x1e: {  	[hbm4b:s6+s3] =	stream.linear.scatter [tilespmem:s21], [sflag:$0x2], $0x1400, $0x38;
	[tilespmem:$0xA400] =	vst v63  }
0x1f: {  	s22 =	simm.s32 $0x1;
	s23 =	simm.s32 @!p1 $0x28;
	s21 =	ssub.s32 @!p0 $0x4, s20  }
0x20: {  	s24 =	simm.s32 @!p1 $0x9000;
	s20 =	simm.s32 @!p1 $0x200;
	s25 =	sand.u32 @!p0 $0xFF, s21  }
0x21: {  	[tilespmem:s24], [sflag:$0x1] =	stream.indirect.gather @!p1 [hbm4b:s1+s23], $0x80, s20, s23, $0xb8;
	[tilespmem:$0xA400] =	vst v63  }
0x22: {  	s19 =	simm.s32 $0x200;
	s21 =	sadd.s32 $0x280, s6;
	s25 =	smul.u32 @!p0 $0x5000, s25  }
0x23: {  	s20 =	simm.s32 $0x5;
	s24 =	smul.u32 $0xCD, s22;
	s23 =	simm.s32 $0x6  }
.LBB2_2:
0x24: {  	s25 =	sshrl.u32 @!p0 s25, $0x2  }
0x25: {  	s26 =	smov.u32 s20;
	s20 =	smov.u32 s23;
	s23 =	sadd.s32 $0x1, s23  }
0x26: {  	s28 =	smov.u32 s19;
	s19 =	sadd.s32 $0x80, s19;
	p2 =	por p0, p0  }
0x27: {  	s24 =	sshrl.u32 s24, $0xA;
	p1 =	sne.s32 s23, $0x81;
	s25 =	sadd.s32 @!p2 $0x4000, s25  }
0x28: {  	s29 =	smov.u32 s21;
	s24 =	sand.u32 $0x3F, s24  }
0x29: {  	s30 =	sadd.s32 $0xFFFFFFFB, s26;
	s31 =	simm.s32 @!p2 $0x2;
	s24 =	smul.u32 $0x5, s24  }
0x2a: {  	p0 =	sgt.u32 s30, $0x77;
	_ =	swait.ge @!p2 [sflag:s31], $0x1400  }
0x2b: {  	p3 =	sne.s32 @p0 s26, $0x4;
	s22 =	ssub.s32 s22, s24;
	s24 =	smul.u32 @!p0 $0xCD, s26  }
0x2c: {  	p3 =	por p3, !p0;
	s22 =	sand.u32 $0xFF, s22;
	[sflag:s31] =	ssyncset.done @!p2 $0x0  }
0x2d: {  	s22 =	smul.u32 $0x5000, s22;
	s24 =	sshrl.u32 @!p0 s24, $0xA;
	[sflag:s31] =	ssyncadd.s32 @!p2 $0xFFFFEC00  }
0x2e: {  	s21 =	sadd.s32 $0x280, s21;
	s30 =	simm.s32 @!p2 $0x28;
	s24 =	sand.u32 @!p0 $0x3F, s24  }
0x2f: {  	s31 =	sshrl.u32 s22, $0x2;
	s0 =	smul.u32 @!p0 $0x5, s24;
	s22 =	sadd.s32 $0xFFFFFFFC, s20  }
0x30: {  	[tilespmem:s25], [sflag:$0x1] =	stream.indirect.gather @!p2 [hbm4b:s1+s30], $0x80, s28, s30, $0xb8;
	[tilespmem:$0xA400] =	vst v63  }
0x31: {  	s24 =	smul.u32 $0xCD, s22;
	s28 =	simm.s32 @!p3 $0x28;
	_ =	swait.ge [sflag:s16], $0x1400  }
.Ltmp0:
0x32: {  	s0 =	ssub.s32 @!p0 s26, s0;
	[sflag:s16] =	ssyncset.done $0x0;
	(pc) =	sbr.rel @p1 .LBB2_2-.Ltmp0, $4  }
0x33: {  	s25 =	sadd.s32 $0x4000, s31;
	s0 =	sand.u32 @!p0 $0xFF, s0;
	[sflag:s16] =	ssyncadd.s32 $0xFFFFEC00  }
0x34: {  	[hbm4b:s29+s3] =	stream.linear.scatter [tilespmem:s25], [sflag:$0x2], $0x1400, $0x38;
	[tilespmem:$0xA400] =	vst v63  }
0x35: {  	s26 =	simm.s32 @!p3 $0x200;
	s29 =	simm.s32 @!p3 $0x9000;
	s25 =	smul.u32 @!p0 $0x5000, s0  }
0x36: {  	[tilespmem:s29], [sflag:$0x1] =	stream.indirect.gather @!p3 [hbm4b:s1+s28], $0x80, s26, s28, $0xb8;
	[tilespmem:$0xA400] =	vst v63  }
0x37: {  	s0 =	sshrl.u32 s24, $0xA;
	s23 =	sshrl.u32 @!p0 s25, $0x2  }
0x38: {  	p1 =	por p0, p0;
	s31 =	sadd.s32 $0xFFFFFFFB, s20;
	s0 =	sand.u32 $0x3F, s0  }
0x39: {  	s23 =	sadd.s32 @!p1 $0x4000, s23;
	s25 =	simm.s32 @!p1 $0x2;
	s0 =	smul.u32 $0x5, s0  }
0x3a: {  	p0 =	sgt.u32 s31, $0x77;
	s24 =	simm.s32 @!p1 $0x28;
	_ =	swait.ge @!p1 [sflag:s25], $0x1400  }
0x3b: {  	p2 =	sne.s32 @p0 s20, $0x4;
	[sflag:s25] =	ssyncset.done @!p1 $0x0;
	s0 =	ssub.s32 s22, s0  }
0x3c: {  	s22 =	smul.u32 @!p0 $0xCD, s20;
	[sflag:s25] =	ssyncadd.s32 @!p1 $0xFFFFEC00;
	s0 =	sand.u32 $0xFF, s0  }
0x3d: {  	[tilespmem:s23], [sflag:$0x1] =	stream.indirect.gather @!p1 [hbm4b:s1+s24], $0x80, s19, s24, $0xb8;
	[tilespmem:$0xA400] =	vst v63  }
0x3e: {  	p1 =	por p2, !p0;
	s0 =	smul.u32 $0x5000, s0  }
0x3f: {  	s22 =	sshrl.u32 @!p0 s22, $0xA;
	_ =	swait.ge [sflag:s16], $0x1400;
	s23 =	simm.s32 @!p1 $0x28  }
0x40: {  	s22 =	sand.u32 @!p0 $0x3F, s22;
	[sflag:s16] =	ssyncset.done $0x0;
	s0 =	sshrl.u32 s0, $0x2  }
0x41: {  	s22 =	smul.u32 @!p0 $0x5, s22;
	[sflag:s16] =	ssyncadd.s32 $0xFFFFEC00;
	s0 =	sadd.s32 $0x4000, s0  }
0x42: {  	[hbm4b:s21+s3] =	stream.linear.scatter [tilespmem:s0], [sflag:$0x2], $0x1400, $0x38;
	[tilespmem:$0xA400] =	vst v63  }
0x43: {  	s0 =	ssub.s32 @!p0 s20, s22;
	s20 =	simm.s32 @!p1 $0x200;
	s21 =	simm.s32 @!p1 $0x9000  }
0x44: {  	[tilespmem:s21], [sflag:$0x1] =	stream.indirect.gather @!p1 [hbm4b:s1+s23], $0x80, s20, s23, $0xb8;
	[tilespmem:$0xA400] =	vst v63  }
0x45: {  	s0 =	sand.u32 @!p0 $0xFF, s0;
	p1 =	por p0, p0  }
0x46: {  	s0 =	smul.u32 @!p0 $0x5000, s0;
	s20 =	simm.s32 @!p1 $0x2  }
0x47: {  	_ =	swait.ge @!p1 [sflag:s20], $0x1400  }
0x48: {  	s19 =	sadd.s32 $0x80, s19;
	s0 =	sshrl.u32 @!p0 s0, $0x2;
	[sflag:s20] =	ssyncset.done @!p1 $0x0  }
0x49: {  	s0 =	sadd.s32 @!p1 $0x4000, s0;
	[sflag:s20] =	ssyncadd.s32 @!p1 $0xFFFFEC00;
	s20 =	simm.s32 @!p1 $0x28  }
0x4a: {  	[tilespmem:s0], [sflag:$0x1] =	stream.indirect.gather @!p1 [hbm4b:s1+s20], $0x80, s19, s20, $0xb8;
	[tilespmem:$0xA400] =	vst v63  }
0x4b: {  	_ =	swait.ge [sflag:s17], $0x1400  }
0x4c: {  	[sflag:s17] =	ssyncset.done $0x0  }
0x4d: {  	[sflag:s17] =	ssyncadd.s32 $0xFFFFEC00  }
0x4e: {  	_ =	swait.ge [sflag:s17], $0x1400  }
0x4f: {  	[sflag:s17] =	ssyncset.done $0x0  }
0x50: {  	[sflag:s17] =	ssyncadd.s32 $0xFFFFEC00  }
0x51: {  	_ =	swait.ge [sflag:s17], $0x1400  }
0x52: {  	[sflag:s17] =	ssyncset.done $0x0  }
0x53: {  	s18 =	sadd.s32 $0x1, s18;
	[sflag:s17] =	ssyncadd.s32 $0xFFFFEC00  }
0x54: {  	p0 =	sne.s32 s18, s5;
	_ =	swait.ge [sflag:s17], $0x1400  }
.Ltmp1:
0x55: {  	[sflag:s17] =	ssyncset.done $0x0;
	(pc) =	sbr.rel @p0 .LBB2_1-.Ltmp1, $4  }
0x56: {  	[sflag:s17] =	ssyncadd.s32 $0xFFFFEC00  }
0x57: {  	_ =	swait.ge [sflag:s17], $0x1400  }
0x58: {  	[sflag:s17] =	ssyncset.done $0x0  }
0x59: {  	[sflag:s17] =	ssyncadd.s32 $0xFFFFEC00  }
0x5a: {  	_ =	sfence.sel $0x180000  }
0x5b: {  	[bflag:$0x0] =	sbarrier.arrive $0xFFFF  }
0x5c: {  	_ =	strace $0x90000047  }
0x5d: {  	[bflag:$0x2] =	sbarrier.arrive $0xFFFF  }
0x5e: {  	p0 =	sne.s32 s2, $0x0;
	s0 =	rddreg [dreg:$0x2]  }
0x5f: {  	s0 =	sadd.s32 @!p0 $0x100000, s0  }
0x60: {  	[sflag:s0] =	ssyncadd.tile.s32 @!p0 $0x1;
	_ =	shalt  }
.Lfunc_end2:
_tile_overlayer_lowered:
.L_overlay_start_2:
0x61: {  	(tag) =	ssettag $0x2  }
0x62: {  	s0 =	rddreg [dreg:$0x0];
	s2 =	stileid.u32  }
0x63: {  	s1 =	rddreg [dreg:$0x1];
	p0 =	sne.s32 s2, $0x0  }
0x64: {  	s3 =	rddreg [dreg:$0x2];
	[bflag:$0x3] =	sbarrier.arrive $0xFFFF;
	s2 =	simm.s32 @!p0 $0x1C03  }
0x65: {  	[timem:s3], [sflag:s2] =	dma.local @!p0 [hbm:s0], s1  }
0x66: {  	s0 =	simm.s32 @!p0 $0x3  }
0x67: {  	_ =	swait.ge @!p0 [sflag:s0], s1  }
0x68: {  	s1 =	ssub.s32 @!p0 $0x0, s1;
	[sflag:s0] =	ssyncset.done @!p0 $0x0  }
0x69: {  	[sflag:s0] =	ssyncadd.s32 @!p0 s1  }
0x6a: {  	[bflag:$0x3] =	sbarrier.arrive $0xFFFF  }
0x6b: {  	_ =	shalt  }

</sc_bundles>
